<compile_context>
chip_gen: v7x
topology: tpu7x:2x2x1
jax: 0.10.2.dev20260603
libtpu: 0.0.44.dev20260713+nightly
codegen_flags: <defaults>
</compile_context>

<pallas_src>
import functools

import jax
import jax.numpy as jnp
from jax import lax
from jax.experimental import pallas as pl
from jax.experimental.pallas import tpu as pltpu
from jax.experimental.pallas import tpu_sc as plsc

HID = 1024
EPS = 1e-5
POS_OFF = 2
NC, NS = 2, 16
NW = NC * NS
CHUNK = 32


def _gather_call(ids3, table, n_rows, nch):
    mesh = plsc.VectorSubcoreMesh(core_axis_name="c", subcore_axis_name="s")

    @functools.partial(
        pl.kernel,
        mesh=mesh,
        out_type=jax.ShapeDtypeStruct((n_rows, HID), jnp.float32),
        scratch_types=[
            pltpu.VMEM((nch, CHUNK), jnp.int32),
            pltpu.VMEM((CHUNK, HID), jnp.float32),
            pltpu.VMEM((CHUNK, HID), jnp.float32),
            pltpu.SemaphoreType.DMA,
            pltpu.SemaphoreType.DMA,
        ],
    )
    def k(ids_hbm, table_hbm, out_hbm, idx_v, buf0, buf1, sem0, sem1):
        wid = lax.axis_index("s") * NC + lax.axis_index("c")
        base = wid * (nch * CHUNK)
        pltpu.sync_copy(ids_hbm.at[wid], idx_v)
        bufs = (buf0, buf1)
        sems = (sem0, sem1)
        copies = [None, None]
        copies[0] = pltpu.async_copy(table_hbm.at[idx_v.at[0]], bufs[0], sems[0])
        for c in range(nch):
            cur = c & 1
            nxt = (c + 1) & 1
            if c + 1 < nch:
                copies[nxt] = pltpu.async_copy(
                    table_hbm.at[idx_v.at[c + 1]], bufs[nxt], sems[nxt])
            copies[cur].wait()
            pltpu.sync_copy(bufs[cur], out_hbm.at[pl.ds(base + c * CHUNK, CHUNK)])

    return k(ids3, table)


def _ln_body(x_ref, p_ref, g_ref, b_ref, o_ref):
    x = x_ref[...] + p_ref[...]
    mean = jnp.mean(x, axis=-1, keepdims=True)
    xc = x - mean
    var = jnp.mean(xc * xc, axis=-1, keepdims=True)
    o_ref[...] = xc * lax.rsqrt(var + EPS) * g_ref[...] + b_ref[...]


def _ln_body_first(x_ref, p_ref, g_ref, b_ref, o_ref):
    _ln_body(x_ref, p_ref, g_ref, b_ref, o_ref)


def _ln_body_rest(x_ref, acc_ref, p_ref, g_ref, b_ref, o_ref):
    del acc_ref
    _ln_body(x_ref, p_ref, g_ref, b_ref, o_ref)


NSPLIT = 2
BS = 512


def kernel(input_ids, W, P, gamma, beta):
    B, S = input_ids.shape
    n = B * S
    npart = n // NSPLIT
    nch = npart // (NW * CHUNK)
    ids4 = input_ids.astype(jnp.int32).reshape(NSPLIT, NW, nch, CHUNK)
    p_slice = lax.slice(P, (POS_OFF, 0), (POS_OFF + S, HID))
    g2 = gamma.reshape(1, HID)
    b2 = beta.reshape(1, HID)
    parts = [_gather_call(ids4[k], W, npart, nch) for k in range(NSPLIT)]

    nsb = S // BS
    bp = B // NSPLIT
    x_spec = pl.BlockSpec((BS, HID), lambda s, b: (b * nsb + s, 0))
    p_spec = pl.BlockSpec((BS, HID), lambda s, b: (s, 0))
    v_spec = pl.BlockSpec((1, HID), lambda s, b: (0, 0))
    out_shape = jax.ShapeDtypeStruct((n, HID), jnp.float32)

    def out_spec(k):
        return pl.BlockSpec((BS, HID), lambda s, b: ((k * bp + b) * nsb + s, 0))

    acc = pl.pallas_call(
        _ln_body_first,
        grid=(nsb, bp),
        in_specs=[x_spec, p_spec, v_spec, v_spec],
        out_specs=out_spec(0),
        out_shape=out_shape,
    )(parts[0], p_slice, g2, b2)
    for k in range(1, NSPLIT):
        acc = pl.pallas_call(
            _ln_body_rest,
            grid=(nsb, bp),
            in_specs=[
                x_spec,
                pl.BlockSpec(memory_space=pltpu.HBM),
                p_spec, v_spec, v_spec,
            ],
            out_specs=out_spec(k),
            out_shape=out_shape,
            input_output_aliases={1: 0},
        )(parts[k], acc, p_slice, g2, b2)
    return acc.reshape(B, S, HID)

# --- scband reference (transcript-rebuilt; emitter-appended) ---
"""Pipeline reference for scband-ernie-membeddings-41901700940316 (READ-ONLY COPY).

The authoritative reference and input builder live on the scoring server;
editing this copy changes nothing except your own understanding.
"""

import jax, jax.numpy as jnp
import numpy as np

VOCAB = 100000
HID = 1024
MAXPOS = 2050
B = 4
S = 2048
PAD_IDX = 1
EPS = 1e-05


def setup_inputs(seed: int = 0) -> dict:
    key = jax.random.key(seed)
    k_ids, k_w, k_p = jax.random.split(key, 3)
    input_ids = jax.random.randint(k_ids, (B, S), 0, VOCAB, dtype=jnp.int64)
    W = jax.random.normal(k_w, (VOCAB, HID), dtype=jnp.float32) * 0.02
    W = W.at[PAD_IDX].set(0.0)
    P = jax.random.normal(k_p, (MAXPOS, HID), dtype=jnp.float32) * 0.02
    P = P.at[PAD_IDX].set(0.0)
    gamma = jnp.ones((HID,), dtype=jnp.float32)
    beta = jnp.zeros((HID,), dtype=jnp.float32)
    return {"input_ids": input_ids, "W": W, "P": P, "gamma": gamma, "beta": beta}


def reference(input_ids, W, P, gamma, beta):
    # word embedding lookup
    inputs_embeds = jnp.take(W, input_ids, axis=0)
    # position ids: cumsum(ones) - ones, then += 2 (ErnieM offset)
    ones = jnp.ones(input_ids.shape, dtype=jnp.int64)
    position_ids = jnp.cumsum(ones, axis=1) - ones + 2
    position_embeddings = jnp.take(P, position_ids, axis=0)
    embeddings = inputs_embeds + position_embeddings
    # LayerNorm over last dim, eps=1e-5, biased variance (matches torch)
    mean = jnp.mean(embeddings, axis=-1, keepdims=True)
    var = jnp.var(embeddings, axis=-1, keepdims=True)
    normed = (embeddings - mean) / jnp.sqrt(var + EPS)
    out = normed * gamma + beta
    # dropout p=0.0 -> identity
    return out

if __name__ == "__main__":
    import jax
    _d = setup_inputs()
    print(jax.jit(kernel)(*tuple(_d.values())))

</pallas_src>

<mosaic_0001>
#map = affine_map<(d0, d1) -> (0, 0, 0)>
#map1 = affine_map<(d0, d1) -> (0, 0)>
module attributes {stable_mosaic.version = 14 : i64} {
  func.func @k(%arg0: i32, %arg1: i32, %arg2: memref<32x4x32xi32, #tpu.memory_space<hbm>>, %arg3: memref<100000x1024xf32, #tpu.memory_space<hbm>>, %arg4: memref<4096x1024xf32, #tpu.memory_space<hbm>>, %arg5: memref<4x32xi32, #tpu.memory_space<vmem>>, %arg6: memref<32x1024xf32, #tpu.memory_space<vmem>>, %arg7: memref<32x1024xf32, #tpu.memory_space<vmem>>, %arg8: memref<!tpu.dma_semaphore, #tpu.memory_space<semaphore_mem>>, %arg9: memref<!tpu.dma_semaphore, #tpu.memory_space<semaphore_mem>>) attributes {dimension_semantics = [#tpu.dimension_semantics<core_parallel>, #tpu.dimension_semantics<subcore_parallel>], iteration_bounds = array<i64: 2, 16>, scalar_prefetch = 0 : i64, scratch_operands = 5 : i64, tpu.core_type = #tpu.core_type<sc_vector_subcore>, window_params = [{transform_indices = #map}, {transform_indices = #map1}, {transform_indices = #map1}]} {
    %mul3A = arith.constant 2 : i32
    %mul3A_0 = arith.muli %arg1, %mul3A : i32
    %add3A = arith.addi %mul3A_0, %arg0 : i32
    %mul3A_1 = arith.constant 128 : i32
    %mul3A_2 = arith.muli %add3A, %mul3A_1 : i32
    "tpu.region"() ({
      %run_scoped3A = tpu.sem_alloc : memref<!tpu.dma_semaphore, #tpu.memory_space<semaphore_mem>>
      %dma_start3A_65 = arith.constant 0 : i32
      %dma_start3A_66 = arith.constant 0 : i32
      %dma_start3A_67 = tpu.memref_slice %arg2[%add3A, %dma_start3A_65, %dma_start3A_66] : memref<32x4x32xi32, #tpu.memory_space<hbm>> -> memref<1x4x32xi32, #tpu.memory_space<hbm>>
      %dma_start3A_68 = tpu.memref_squeeze %dma_start3A_67 : memref<1x4x32xi32, #tpu.memory_space<hbm>> -> memref<4x32xi32, #tpu.memory_space<hbm>>
      %dma_start3A_69 = arith.constant 0 : i32
      %dma_start3A_70 = arith.constant 0 : i32
      %dma_start3A_71 = tpu.memref_slice %arg2[%add3A, %dma_start3A_69, %dma_start3A_70] : memref<32x4x32xi32, #tpu.memory_space<hbm>> -> memref<1x4x32xi32, #tpu.memory_space<hbm>>
      %dma_start3A_72 = tpu.memref_squeeze %dma_start3A_71 : memref<1x4x32xi32, #tpu.memory_space<hbm>> -> memref<4x32xi32, #tpu.memory_space<hbm>>
      tpu.enqueue_dma source(%dma_start3A_72 : memref<4x32xi32, #tpu.memory_space<hbm>>) target(%arg5 : memref<4x32xi32, #tpu.memory_space<vmem>>) target_semaphore(%run_scoped3A : memref<!tpu.dma_semaphore, #tpu.memory_space<semaphore_mem>>)
      %dma_wait3A_73 = arith.constant 0 : i32
      %dma_wait3A_74 = arith.constant 0 : i32
      %dma_wait3A_75 = tpu.memref_slice %arg2[%add3A, %dma_wait3A_73, %dma_wait3A_74] : memref<32x4x32xi32, #tpu.memory_space<hbm>> -> memref<1x4x32xi32, #tpu.memory_space<hbm>>
      %dma_wait3A_76 = tpu.memref_squeeze %dma_wait3A_75 : memref<1x4x32xi32, #tpu.memory_space<hbm>> -> memref<4x32xi32, #tpu.memory_space<hbm>>
      %dma_wait3A_77 = arith.constant 0 : i32
      %dma_wait3A_78 = arith.constant 0 : i32
      %dma_wait3A_79 = tpu.memref_slice %arg2[%add3A, %dma_wait3A_77, %dma_wait3A_78] : memref<32x4x32xi32, #tpu.memory_space<hbm>> -> memref<1x4x32xi32, #tpu.memory_space<hbm>>
      %dma_wait3A_80 = tpu.memref_squeeze %dma_wait3A_79 : memref<1x4x32xi32, #tpu.memory_space<hbm>> -> memref<4x32xi32, #tpu.memory_space<hbm>>
      tpu.wait_dma2 semaphore(%run_scoped3A : memref<!tpu.dma_semaphore, #tpu.memory_space<semaphore_mem>>) src(%dma_wait3A_80 : memref<4x32xi32, #tpu.memory_space<hbm>>) dst(%arg5 : memref<4x32xi32, #tpu.memory_space<vmem>>)
      tpu.yield
    }) : () -> ()
    %dma_start3A = arith.constant 0 : i32
    %dma_start3A_3 = arith.constant 0 : i32
    %dma_start3A_4 = tpu.memref_slice %arg5[%dma_start3A, %dma_start3A_3] : memref<4x32xi32, #tpu.memory_space<vmem>> -> memref<1x32xi32, #tpu.memory_space<vmem>>
    %dma_start3A_5 = tpu.memref_squeeze %dma_start3A_4 : memref<1x32xi32, #tpu.memory_space<vmem>> -> memref<32xi32, #tpu.memory_space<vmem>>
    %dma_start3A_6 = arith.constant 0 : i32
    %dma_start3A_7 = arith.constant 0 : i32
    %dma_start3A_8 = tpu.memref_slice %arg3[%dma_start3A_6, %dma_start3A_7] : memref<100000x1024xf32, #tpu.memory_space<hbm>> -> memref<100000x1024xf32, #tpu.memory_space<hbm>>
    tpu.enqueue_indirect_dma source(%dma_start3A_8 : memref<100000x1024xf32, #tpu.memory_space<hbm>>) target(%arg6 : memref<32x1024xf32, #tpu.memory_space<vmem>>) offsets(%dma_start3A_5 : memref<32xi32, #tpu.memory_space<vmem>>) semaphore(%arg8 : memref<!tpu.dma_semaphore, #tpu.memory_space<semaphore_mem>>)
    %dma_start3A_9 = arith.constant 1 : i32
    %dma_start3A_10 = arith.constant 0 : i32
    %dma_start3A_11 = tpu.memref_slice %arg5[%dma_start3A_9, %dma_start3A_10] : memref<4x32xi32, #tpu.memory_space<vmem>> -> memref<1x32xi32, #tpu.memory_space<vmem>>
    %dma_start3A_12 = tpu.memref_squeeze %dma_start3A_11 : memref<1x32xi32, #tpu.memory_space<vmem>> -> memref<32xi32, #tpu.memory_space<vmem>>
    %dma_start3A_13 = arith.constant 0 : i32
    %dma_start3A_14 = arith.constant 0 : i32
    %dma_start3A_15 = tpu.memref_slice %arg3[%dma_start3A_13, %dma_start3A_14] : memref<100000x1024xf32, #tpu.memory_space<hbm>> -> memref<100000x1024xf32, #tpu.memory_space<hbm>>
    tpu.enqueue_indirect_dma source(%dma_start3A_15 : memref<100000x1024xf32, #tpu.memory_space<hbm>>) target(%arg7 : memref<32x1024xf32, #tpu.memory_space<vmem>>) offsets(%dma_start3A_12 : memref<32xi32, #tpu.memory_space<vmem>>) semaphore(%arg9 : memref<!tpu.dma_semaphore, #tpu.memory_space<semaphore_mem>>)
    %dma_wait3A = arith.constant 0 : i32
    %dma_wait3A_16 = arith.constant 0 : i32
    %dma_wait3A_17 = tpu.memref_slice %arg5[%dma_wait3A, %dma_wait3A_16] : memref<4x32xi32, #tpu.memory_space<vmem>> -> memref<1x32xi32, #tpu.memory_space<vmem>>
    %dma_wait3A_18 = tpu.memref_squeeze %dma_wait3A_17 : memref<1x32xi32, #tpu.memory_space<vmem>> -> memref<32xi32, #tpu.memory_space<vmem>>
    %dma_wait3A_19 = arith.constant 0 : i32
    %dma_wait3A_20 = arith.constant 0 : i32
    %dma_wait3A_21 = tpu.memref_slice %arg3[%dma_wait3A_19, %dma_wait3A_20] : memref<100000x1024xf32, #tpu.memory_space<hbm>> -> memref<100000x1024xf32, #tpu.memory_space<hbm>>
    tpu.wait_indirect_dma semaphore(%arg8 : memref<!tpu.dma_semaphore, #tpu.memory_space<semaphore_mem>>) src(%dma_wait3A_21 : memref<100000x1024xf32, #tpu.memory_space<hbm>>) dst(%arg6 : memref<32x1024xf32, #tpu.memory_space<vmem>>)
    %add3A_22 = arith.constant 0 : i32
    %add3A_23 = arith.addi %mul3A_2, %add3A_22 : i32
    "tpu.region"() ({
      %run_scoped3A = tpu.sem_alloc : memref<!tpu.dma_semaphore, #tpu.memory_space<semaphore_mem>>
      %dma_start3A_65 = arith.constant 0 : i32
      %dma_start3A_66 = tpu.memref_slice %arg4[%add3A_23, %dma_start3A_65] : memref<4096x1024xf32, #tpu.memory_space<hbm>> -> memref<32x1024xf32, #tpu.memory_space<hbm>>
      %dma_start3A_67 = arith.constant 0 : i32
      %dma_start3A_68 = tpu.memref_slice %arg4[%add3A_23, %dma_start3A_67] : memref<4096x1024xf32, #tpu.memory_space<hbm>> -> memref<32x1024xf32, #tpu.memory_space<hbm>>
      tpu.enqueue_dma source(%arg6 : memref<32x1024xf32, #tpu.memory_space<vmem>>) target(%dma_start3A_68 : memref<32x1024xf32, #tpu.memory_space<hbm>>) target_semaphore(%run_scoped3A : memref<!tpu.dma_semaphore, #tpu.memory_space<semaphore_mem>>)
      %dma_wait3A_69 = arith.constant 0 : i32
      %dma_wait3A_70 = tpu.memref_slice %arg4[%add3A_23, %dma_wait3A_69] : memref<4096x1024xf32, #tpu.memory_space<hbm>> -> memref<32x1024xf32, #tpu.memory_space<hbm>>
      %dma_wait3A_71 = arith.constant 0 : i32
      %dma_wait3A_72 = tpu.memref_slice %arg4[%add3A_23, %dma_wait3A_71] : memref<4096x1024xf32, #tpu.memory_space<hbm>> -> memref<32x1024xf32, #tpu.memory_space<hbm>>
      tpu.wait_dma2 semaphore(%run_scoped3A : memref<!tpu.dma_semaphore, #tpu.memory_space<semaphore_mem>>) src(%arg6 : memref<32x1024xf32, #tpu.memory_space<vmem>>) dst(%dma_wait3A_72 : memref<32x1024xf32, #tpu.memory_space<hbm>>)
      tpu.yield
    }) : () -> ()
    %dma_start3A_24 = arith.constant 2 : i32
    %dma_start3A_25 = arith.constant 0 : i32
    %dma_start3A_26 = tpu.memref_slice %arg5[%dma_start3A_24, %dma_start3A_25] : memref<4x32xi32, #tpu.memory_space<vmem>> -> memref<1x32xi32, #tpu.memory_space<vmem>>
    %dma_start3A_27 = tpu.memref_squeeze %dma_start3A_26 : memref<1x32xi32, #tpu.memory_space<vmem>> -> memref<32xi32, #tpu.memory_space<vmem>>
    %dma_start3A_28 = arith.constant 0 : i32
    %dma_start3A_29 = arith.constant 0 : i32
    %dma_start3A_30 = tpu.memref_slice %arg3[%dma_start3A_28, %dma_start3A_29] : memref<100000x1024xf32, #tpu.memory_space<hbm>> -> memref<100000x1024xf32, #tpu.memory_space<hbm>>
    tpu.enqueue_indirect_dma source(%dma_start3A_30 : memref<100000x1024xf32, #tpu.memory_space<hbm>>) target(%arg6 : memref<32x1024xf32, #tpu.memory_space<vmem>>) offsets(%dma_start3A_27 : memref<32xi32, #tpu.memory_space<vmem>>) semaphore(%arg8 : memref<!tpu.dma_semaphore, #tpu.memory_space<semaphore_mem>>)
    %dma_wait3A_31 = arith.constant 1 : i32
    %dma_wait3A_32 = arith.constant 0 : i32
    %dma_wait3A_33 = tpu.memref_slice %arg5[%dma_wait3A_31, %dma_wait3A_32] : memref<4x32xi32, #tpu.memory_space<vmem>> -> memref<1x32xi32, #tpu.memory_space<vmem>>
    %dma_wait3A_34 = tpu.memref_squeeze %dma_wait3A_33 : memref<1x32xi32, #tpu.memory_space<vmem>> -> memref<32xi32, #tpu.memory_space<vmem>>
    %dma_wait3A_35 = arith.constant 0 : i32
    %dma_wait3A_36 = arith.constant 0 : i32
    %dma_wait3A_37 = tpu.memref_slice %arg3[%dma_wait3A_35, %dma_wait3A_36] : memref<100000x1024xf32, #tpu.memory_space<hbm>> -> memref<100000x1024xf32, #tpu.memory_space<hbm>>
    tpu.wait_indirect_dma semaphore(%arg9 : memref<!tpu.dma_semaphore, #tpu.memory_space<semaphore_mem>>) src(%dma_wait3A_37 : memref<100000x1024xf32, #tpu.memory_space<hbm>>) dst(%arg7 : memref<32x1024xf32, #tpu.memory_space<vmem>>)
    %add3A_38 = arith.constant 32 : i32
    %add3A_39 = arith.addi %mul3A_2, %add3A_38 : i32
    "tpu.region"() ({
      %run_scoped3A = tpu.sem_alloc : memref<!tpu.dma_semaphore, #tpu.memory_space<semaphore_mem>>
      %dma_start3A_65 = arith.constant 0 : i32
      %dma_start3A_66 = tpu.memref_slice %arg4[%add3A_39, %dma_start3A_65] : memref<4096x1024xf32, #tpu.memory_space<hbm>> -> memref<32x1024xf32, #tpu.memory_space<hbm>>
      %dma_start3A_67 = arith.constant 0 : i32
      %dma_start3A_68 = tpu.memref_slice %arg4[%add3A_39, %dma_start3A_67] : memref<4096x1024xf32, #tpu.memory_space<hbm>> -> memref<32x1024xf32, #tpu.memory_space<hbm>>
      tpu.enqueue_dma source(%arg7 : memref<32x1024xf32, #tpu.memory_space<vmem>>) target(%dma_start3A_68 : memref<32x1024xf32, #tpu.memory_space<hbm>>) target_semaphore(%run_scoped3A : memref<!tpu.dma_semaphore, #tpu.memory_space<semaphore_mem>>)
      %dma_wait3A_69 = arith.constant 0 : i32
      %dma_wait3A_70 = tpu.memref_slice %arg4[%add3A_39, %dma_wait3A_69] : memref<4096x1024xf32, #tpu.memory_space<hbm>> -> memref<32x1024xf32, #tpu.memory_space<hbm>>
      %dma_wait3A_71 = arith.constant 0 : i32
      %dma_wait3A_72 = tpu.memref_slice %arg4[%add3A_39, %dma_wait3A_71] : memref<4096x1024xf32, #tpu.memory_space<hbm>> -> memref<32x1024xf32, #tpu.memory_space<hbm>>
      tpu.wait_dma2 semaphore(%run_scoped3A : memref<!tpu.dma_semaphore, #tpu.memory_space<semaphore_mem>>) src(%arg7 : memref<32x1024xf32, #tpu.memory_space<vmem>>) dst(%dma_wait3A_72 : memref<32x1024xf32, #tpu.memory_space<hbm>>)
      tpu.yield
    }) : () -> ()
    %dma_start3A_40 = arith.constant 3 : i32
    %dma_start3A_41 = arith.constant 0 : i32
    %dma_start3A_42 = tpu.memref_slice %arg5[%dma_start3A_40, %dma_start3A_41] : memref<4x32xi32, #tpu.memory_space<vmem>> -> memref<1x32xi32, #tpu.memory_space<vmem>>
    %dma_start3A_43 = tpu.memref_squeeze %dma_start3A_42 : memref<1x32xi32, #tpu.memory_space<vmem>> -> memref<32xi32, #tpu.memory_space<vmem>>
    %dma_start3A_44 = arith.constant 0 : i32
    %dma_start3A_45 = arith.constant 0 : i32
    %dma_start3A_46 = tpu.memref_slice %arg3[%dma_start3A_44, %dma_start3A_45] : memref<100000x1024xf32, #tpu.memory_space<hbm>> -> memref<100000x1024xf32, #tpu.memory_space<hbm>>
    tpu.enqueue_indirect_dma source(%dma_start3A_46 : memref<100000x1024xf32, #tpu.memory_space<hbm>>) target(%arg7 : memref<32x1024xf32, #tpu.memory_space<vmem>>) offsets(%dma_start3A_43 : memref<32xi32, #tpu.memory_space<vmem>>) semaphore(%arg9 : memref<!tpu.dma_semaphore, #tpu.memory_space<semaphore_mem>>)
    %dma_wait3A_47 = arith.constant 2 : i32
    %dma_wait3A_48 = arith.constant 0 : i32
    %dma_wait3A_49 = tpu.memref_slice %arg5[%dma_wait3A_47, %dma_wait3A_48] : memref<4x32xi32, #tpu.memory_space<vmem>> -> memref<1x32xi32, #tpu.memory_space<vmem>>
    %dma_wait3A_50 = tpu.memref_squeeze %dma_wait3A_49 : memref<1x32xi32, #tpu.memory_space<vmem>> -> memref<32xi32, #tpu.memory_space<vmem>>
    %dma_wait3A_51 = arith.constant 0 : i32
    %dma_wait3A_52 = arith.constant 0 : i32
    %dma_wait3A_53 = tpu.memref_slice %arg3[%dma_wait3A_51, %dma_wait3A_52] : memref<100000x1024xf32, #tpu.memory_space<hbm>> -> memref<100000x1024xf32, #tpu.memory_space<hbm>>
    tpu.wait_indirect_dma semaphore(%arg8 : memref<!tpu.dma_semaphore, #tpu.memory_space<semaphore_mem>>) src(%dma_wait3A_53 : memref<100000x1024xf32, #tpu.memory_space<hbm>>) dst(%arg6 : memref<32x1024xf32, #tpu.memory_space<vmem>>)
    %add3A_54 = arith.constant 64 : i32
    %add3A_55 = arith.addi %mul3A_2, %add3A_54 : i32
    "tpu.region"() ({
      %run_scoped3A = tpu.sem_alloc : memref<!tpu.dma_semaphore, #tpu.memory_space<semaphore_mem>>
      %dma_start3A_65 = arith.constant 0 : i32
      %dma_start3A_66 = tpu.memref_slice %arg4[%add3A_55, %dma_start3A_65] : memref<4096x1024xf32, #tpu.memory_space<hbm>> -> memref<32x1024xf32, #tpu.memory_space<hbm>>
      %dma_start3A_67 = arith.constant 0 : i32
      %dma_start3A_68 = tpu.memref_slice %arg4[%add3A_55, %dma_start3A_67] : memref<4096x1024xf32, #tpu.memory_space<hbm>> -> memref<32x1024xf32, #tpu.memory_space<hbm>>
      tpu.enqueue_dma source(%arg6 : memref<32x1024xf32, #tpu.memory_space<vmem>>) target(%dma_start3A_68 : memref<32x1024xf32, #tpu.memory_space<hbm>>) target_semaphore(%run_scoped3A : memref<!tpu.dma_semaphore, #tpu.memory_space<semaphore_mem>>)
      %dma_wait3A_69 = arith.constant 0 : i32
      %dma_wait3A_70 = tpu.memref_slice %arg4[%add3A_55, %dma_wait3A_69] : memref<4096x1024xf32, #tpu.memory_space<hbm>> -> memref<32x1024xf32, #tpu.memory_space<hbm>>
      %dma_wait3A_71 = arith.constant 0 : i32
      %dma_wait3A_72 = tpu.memref_slice %arg4[%add3A_55, %dma_wait3A_71] : memref<4096x1024xf32, #tpu.memory_space<hbm>> -> memref<32x1024xf32, #tpu.memory_space<hbm>>
      tpu.wait_dma2 semaphore(%run_scoped3A : memref<!tpu.dma_semaphore, #tpu.memory_space<semaphore_mem>>) src(%arg6 : memref<32x1024xf32, #tpu.memory_space<vmem>>) dst(%dma_wait3A_72 : memref<32x1024xf32, #tpu.memory_space<hbm>>)
      tpu.yield
    }) : () -> ()
    %dma_wait3A_56 = arith.constant 3 : i32
    %dma_wait3A_57 = arith.constant 0 : i32
    %dma_wait3A_58 = tpu.memref_slice %arg5[%dma_wait3A_56, %dma_wait3A_57] : memref<4x32xi32, #tpu.memory_space<vmem>> -> memref<1x32xi32, #tpu.memory_space<vmem>>
    %dma_wait3A_59 = tpu.memref_squeeze %dma_wait3A_58 : memref<1x32xi32, #tpu.memory_space<vmem>> -> memref<32xi32, #tpu.memory_space<vmem>>
    %dma_wait3A_60 = arith.constant 0 : i32
    %dma_wait3A_61 = arith.constant 0 : i32
    %dma_wait3A_62 = tpu.memref_slice %arg3[%dma_wait3A_60, %dma_wait3A_61] : memref<100000x1024xf32, #tpu.memory_space<hbm>> -> memref<100000x1024xf32, #tpu.memory_space<hbm>>
    tpu.wait_indirect_dma semaphore(%arg9 : memref<!tpu.dma_semaphore, #tpu.memory_space<semaphore_mem>>) src(%dma_wait3A_62 : memref<100000x1024xf32, #tpu.memory_space<hbm>>) dst(%arg7 : memref<32x1024xf32, #tpu.memory_space<vmem>>)
    %add3A_63 = arith.constant 96 : i32
    %add3A_64 = arith.addi %mul3A_2, %add3A_63 : i32
    "tpu.region"() ({
      %run_scoped3A = tpu.sem_alloc : memref<!tpu.dma_semaphore, #tpu.memory_space<semaphore_mem>>
      %dma_start3A_65 = arith.constant 0 : i32
      %dma_start3A_66 = tpu.memref_slice %arg4[%add3A_64, %dma_start3A_65] : memref<4096x1024xf32, #tpu.memory_space<hbm>> -> memref<32x1024xf32, #tpu.memory_space<hbm>>
      %dma_start3A_67 = arith.constant 0 : i32
      %dma_start3A_68 = tpu.memref_slice %arg4[%add3A_64, %dma_start3A_67] : memref<4096x1024xf32, #tpu.memory_space<hbm>> -> memref<32x1024xf32, #tpu.memory_space<hbm>>
      tpu.enqueue_dma source(%arg7 : memref<32x1024xf32, #tpu.memory_space<vmem>>) target(%dma_start3A_68 : memref<32x1024xf32, #tpu.memory_space<hbm>>) target_semaphore(%run_scoped3A : memref<!tpu.dma_semaphore, #tpu.memory_space<semaphore_mem>>)
      %dma_wait3A_69 = arith.constant 0 : i32
      %dma_wait3A_70 = tpu.memref_slice %arg4[%add3A_64, %dma_wait3A_69] : memref<4096x1024xf32, #tpu.memory_space<hbm>> -> memref<32x1024xf32, #tpu.memory_space<hbm>>
      %dma_wait3A_71 = arith.constant 0 : i32
      %dma_wait3A_72 = tpu.memref_slice %arg4[%add3A_64, %dma_wait3A_71] : memref<4096x1024xf32, #tpu.memory_space<hbm>> -> memref<32x1024xf32, #tpu.memory_space<hbm>>
      tpu.wait_dma2 semaphore(%run_scoped3A : memref<!tpu.dma_semaphore, #tpu.memory_space<semaphore_mem>>) src(%arg7 : memref<32x1024xf32, #tpu.memory_space<vmem>>) dst(%dma_wait3A_72 : memref<32x1024xf32, #tpu.memory_space<hbm>>)
      tpu.yield
    }) : () -> ()
    return
  }
}

#map = affine_map<(d0, d1) -> (0, 0, 0)>
#map1 = affine_map<(d0, d1) -> (0, 0)>
module attributes {stable_mosaic.version = 14 : i64} {
  func.func @k(%arg0: i32, %arg1: i32, %arg2: memref<32x4x32xi32, #tpu.memory_space<hbm>>, %arg3: memref<100000x1024xf32, #tpu.memory_space<hbm>>, %arg4: memref<4096x1024xf32, #tpu.memory_space<hbm>>, %arg5: memref<4x32xi32, #tpu.memory_space<vmem>>, %arg6: memref<32x1024xf32, #tpu.memory_space<vmem>>, %arg7: memref<32x1024xf32, #tpu.memory_space<vmem>>, %arg8: memref<!tpu.dma_semaphore, #tpu.memory_space<semaphore_mem>>, %arg9: memref<!tpu.dma_semaphore, #tpu.memory_space<semaphore_mem>>) attributes {dimension_semantics = [#tpu.dimension_semantics<core_parallel>, #tpu.dimension_semantics<subcore_parallel>], iteration_bounds = array<i64: 2, 16>, scalar_prefetch = 0 : i64, scratch_operands = 5 : i64, tpu.core_type = #tpu.core_type<sc_vector_subcore>, window_params = [{transform_indices = #map}, {transform_indices = #map1}, {transform_indices = #map1}]} {
    %mul3A = arith.constant 2 : i32
    %mul3A_0 = arith.muli %arg1, %mul3A : i32
    %add3A = arith.addi %mul3A_0, %arg0 : i32
    %mul3A_1 = arith.constant 128 : i32
    %mul3A_2 = arith.muli %add3A, %mul3A_1 : i32
    "tpu.region"() ({
      %run_scoped3A = tpu.sem_alloc : memref<!tpu.dma_semaphore, #tpu.memory_space<semaphore_mem>>
      %dma_start3A_65 = arith.constant 0 : i32
      %dma_start3A_66 = arith.constant 0 : i32
      %dma_start3A_67 = tpu.memref_slice %arg2[%add3A, %dma_start3A_65, %dma_start3A_66] : memref<32x4x32xi32, #tpu.memory_space<hbm>> -> memref<1x4x32xi32, #tpu.memory_space<hbm>>
      %dma_start3A_68 = tpu.memref_squeeze %dma_start3A_67 : memref<1x4x32xi32, #tpu.memory_space<hbm>> -> memref<4x32xi32, #tpu.memory_space<hbm>>
      %dma_start3A_69 = arith.constant 0 : i32
      %dma_start3A_70 = arith.constant 0 : i32
      %dma_start3A_71 = tpu.memref_slice %arg2[%add3A, %dma_start3A_69, %dma_start3A_70] : memref<32x4x32xi32, #tpu.memory_space<hbm>> -> memref<1x4x32xi32, #tpu.memory_space<hbm>>
      %dma_start3A_72 = tpu.memref_squeeze %dma_start3A_71 : memref<1x4x32xi32, #tpu.memory_space<hbm>> -> memref<4x32xi32, #tpu.memory_space<hbm>>
      tpu.enqueue_dma source(%dma_start3A_72 : memref<4x32xi32, #tpu.memory_space<hbm>>) target(%arg5 : memref<4x32xi32, #tpu.memory_space<vmem>>) target_semaphore(%run_scoped3A : memref<!tpu.dma_semaphore, #tpu.memory_space<semaphore_mem>>)
      %dma_wait3A_73 = arith.constant 0 : i32
      %dma_wait3A_74 = arith.constant 0 : i32
      %dma_wait3A_75 = tpu.memref_slice %arg2[%add3A, %dma_wait3A_73, %dma_wait3A_74] : memref<32x4x32xi32, #tpu.memory_space<hbm>> -> memref<1x4x32xi32, #tpu.memory_space<hbm>>
      %dma_wait3A_76 = tpu.memref_squeeze %dma_wait3A_75 : memref<1x4x32xi32, #tpu.memory_space<hbm>> -> memref<4x32xi32, #tpu.memory_space<hbm>>
      %dma_wait3A_77 = arith.constant 0 : i32
      %dma_wait3A_78 = arith.constant 0 : i32
      %dma_wait3A_79 = tpu.memref_slice %arg2[%add3A, %dma_wait3A_77, %dma_wait3A_78] : memref<32x4x32xi32, #tpu.memory_space<hbm>> -> memref<1x4x32xi32, #tpu.memory_space<hbm>>
      %dma_wait3A_80 = tpu.memref_squeeze %dma_wait3A_79 : memref<1x4x32xi32, #tpu.memory_space<hbm>> -> memref<4x32xi32, #tpu.memory_space<hbm>>
      tpu.wait_dma2 semaphore(%run_scoped3A : memref<!tpu.dma_semaphore, #tpu.memory_space<semaphore_mem>>) src(%dma_wait3A_80 : memref<4x32xi32, #tpu.memory_space<hbm>>) dst(%arg5 : memref<4x32xi32, #tpu.memory_space<vmem>>)
      tpu.yield
    }) : () -> ()
    %dma_start3A = arith.constant 0 : i32
    %dma_start3A_3 = arith.constant 0 : i32
    %dma_start3A_4 = tpu.memref_slice %arg5[%dma_start3A, %dma_start3A_3] : memref<4x32xi32, #tpu.memory_space<vmem>> -> memref<1x32xi32, #tpu.memory_space<vmem>>
    %dma_start3A_5 = tpu.memref_squeeze %dma_start3A_4 : memref<1x32xi32, #tpu.memory_space<vmem>> -> memref<32xi32, #tpu.memory_space<vmem>>
    %dma_start3A_6 = arith.constant 0 : i32
    %dma_start3A_7 = arith.constant 0 : i32
    %dma_start3A_8 = tpu.memref_slice %arg3[%dma_start3A_6, %dma_start3A_7] : memref<100000x1024xf32, #tpu.memory_space<hbm>> -> memref<100000x1024xf32, #tpu.memory_space<hbm>>
    tpu.enqueue_indirect_dma source(%dma_start3A_8 : memref<100000x1024xf32, #tpu.memory_space<hbm>>) target(%arg6 : memref<32x1024xf32, #tpu.memory_space<vmem>>) offsets(%dma_start3A_5 : memref<32xi32, #tpu.memory_space<vmem>>) semaphore(%arg8 : memref<!tpu.dma_semaphore, #tpu.memory_space<semaphore_mem>>)
    %dma_start3A_9 = arith.constant 1 : i32
    %dma_start3A_10 = arith.constant 0 : i32
    %dma_start3A_11 = tpu.memref_slice %arg5[%dma_start3A_9, %dma_start3A_10] : memref<4x32xi32, #tpu.memory_space<vmem>> -> memref<1x32xi32, #tpu.memory_space<vmem>>
    %dma_start3A_12 = tpu.memref_squeeze %dma_start3A_11 : memref<1x32xi32, #tpu.memory_space<vmem>> -> memref<32xi32, #tpu.memory_space<vmem>>
    %dma_start3A_13 = arith.constant 0 : i32
    %dma_start3A_14 = arith.constant 0 : i32
    %dma_start3A_15 = tpu.memref_slice %arg3[%dma_start3A_13, %dma_start3A_14] : memref<100000x1024xf32, #tpu.memory_space<hbm>> -> memref<100000x1024xf32, #tpu.memory_space<hbm>>
    tpu.enqueue_indirect_dma source(%dma_start3A_15 : memref<100000x1024xf32, #tpu.memory_space<hbm>>) target(%arg7 : memref<32x1024xf32, #tpu.memory_space<vmem>>) offsets(%dma_start3A_12 : memref<32xi32, #tpu.memory_space<vmem>>) semaphore(%arg9 : memref<!tpu.dma_semaphore, #tpu.memory_space<semaphore_mem>>)
    %dma_wait3A = arith.constant 0 : i32
    %dma_wait3A_16 = arith.constant 0 : i32
    %dma_wait3A_17 = tpu.memref_slice %arg5[%dma_wait3A, %dma_wait3A_16] : memref<4x32xi32, #tpu.memory_space<vmem>> -> memref<1x32xi32, #tpu.memory_space<vmem>>
    %dma_wait3A_18 = tpu.memref_squeeze %dma_wait3A_17 : memref<1x32xi32, #tpu.memory_space<vmem>> -> memref<32xi32, #tpu.memory_space<vmem>>
    %dma_wait3A_19 = arith.constant 0 : i32
    %dma_wait3A_20 = arith.constant 0 : i32
    %dma_wait3A_21 = tpu.memref_slice %arg3[%dma_wait3A_19, %dma_wait3A_20] : memref<100000x1024xf32, #tpu.memory_space<hbm>> -> memref<100000x1024xf32, #tpu.memory_space<hbm>>
    tpu.wait_indirect_dma semaphore(%arg8 : memref<!tpu.dma_semaphore, #tpu.memory_space<semaphore_mem>>) src(%dma_wait3A_21 : memref<100000x1024xf32, #tpu.memory_space<hbm>>) dst(%arg6 : memref<32x1024xf32, #tpu.memory_space<vmem>>)
    %add3A_22 = arith.constant 0 : i32
    %add3A_23 = arith.addi %mul3A_2, %add3A_22 : i32
    "tpu.region"() ({
      %run_scoped3A = tpu.sem_alloc : memref<!tpu.dma_semaphore, #tpu.memory_space<semaphore_mem>>
      %dma_start3A_65 = arith.constant 0 : i32
      %dma_start3A_66 = tpu.memref_slice %arg4[%add3A_23, %dma_start3A_65] : memref<4096x1024xf32, #tpu.memory_space<hbm>> -> memref<32x1024xf32, #tpu.memory_space<hbm>>
      %dma_start3A_67 = arith.constant 0 : i32
      %dma_start3A_68 = tpu.memref_slice %arg4[%add3A_23, %dma_start3A_67] : memref<4096x1024xf32, #tpu.memory_space<hbm>> -> memref<32x1024xf32, #tpu.memory_space<hbm>>
      tpu.enqueue_dma source(%arg6 : memref<32x1024xf32, #tpu.memory_space<vmem>>) target(%dma_start3A_68 : memref<32x1024xf32, #tpu.memory_space<hbm>>) target_semaphore(%run_scoped3A : memref<!tpu.dma_semaphore, #tpu.memory_space<semaphore_mem>>)
      %dma_wait3A_69 = arith.constant 0 : i32
      %dma_wait3A_70 = tpu.memref_slice %arg4[%add3A_23, %dma_wait3A_69] : memref<4096x1024xf32, #tpu.memory_space<hbm>> -> memref<32x1024xf32, #tpu.memory_space<hbm>>
      %dma_wait3A_71 = arith.constant 0 : i32
      %dma_wait3A_72 = tpu.memref_slice %arg4[%add3A_23, %dma_wait3A_71] : memref<4096x1024xf32, #tpu.memory_space<hbm>> -> memref<32x1024xf32, #tpu.memory_space<hbm>>
      tpu.wait_dma2 semaphore(%run_scoped3A : memref<!tpu.dma_semaphore, #tpu.memory_space<semaphore_mem>>) src(%arg6 : memref<32x1024xf32, #tpu.memory_space<vmem>>) dst(%dma_wait3A_72 : memref<32x1024xf32, #tpu.memory_space<hbm>>)
      tpu.yield
    }) : () -> ()
    %dma_start3A_24 = arith.constant 2 : i32
    %dma_start3A_25 = arith.constant 0 : i32
    %dma_start3A_26 = tpu.memref_slice %arg5[%dma_start3A_24, %dma_start3A_25] : memref<4x32xi32, #tpu.memory_space<vmem>> -> memref<1x32xi32, #tpu.memory_space<vmem>>
    %dma_start3A_27 = tpu.memref_squeeze %dma_start3A_26 : memref<1x32xi32, #tpu.memory_space<vmem>> -> memref<32xi32, #tpu.memory_space<vmem>>
    %dma_start3A_28 = arith.constant 0 : i32
    %dma_start3A_29 = arith.constant 0 : i32
    %dma_start3A_30 = tpu.memref_slice %arg3[%dma_start3A_28, %dma_start3A_29] : memref<100000x1024xf32, #tpu.memory_space<hbm>> -> memref<100000x1024xf32, #tpu.memory_space<hbm>>
    tpu.enqueue_indirect_dma source(%dma_start3A_30 : memref<100000x1024xf32, #tpu.memory_space<hbm>>) target(%arg6 : memref<32x1024xf32, #tpu.memory_space<vmem>>) offsets(%dma_start3A_27 : memref<32xi32, #tpu.memory_space<vmem>>) semaphore(%arg8 : memref<!tpu.dma_semaphore, #tpu.memory_space<semaphore_mem>>)
    %dma_wait3A_31 = arith.constant 1 : i32
    %dma_wait3A_32 = arith.constant 0 : i32
    %dma_wait3A_33 = tpu.memref_slice %arg5[%dma_wait3A_31, %dma_wait3A_32] : memref<4x32xi32, #tpu.memory_space<vmem>> -> memref<1x32xi32, #tpu.memory_space<vmem>>
    %dma_wait3A_34 = tpu.memref_squeeze %dma_wait3A_33 : memref<1x32xi32, #tpu.memory_space<vmem>> -> memref<32xi32, #tpu.memory_space<vmem>>
    %dma_wait3A_35 = arith.constant 0 : i32
    %dma_wait3A_36 = arith.constant 0 : i32
    %dma_wait3A_37 = tpu.memref_slice %arg3[%dma_wait3A_35, %dma_wait3A_36] : memref<100000x1024xf32, #tpu.memory_space<hbm>> -> memref<100000x1024xf32, #tpu.memory_space<hbm>>
    tpu.wait_indirect_dma semaphore(%arg9 : memref<!tpu.dma_semaphore, #tpu.memory_space<semaphore_mem>>) src(%dma_wait3A_37 : memref<100000x1024xf32, #tpu.memory_space<hbm>>) dst(%arg7 : memref<32x1024xf32, #tpu.memory_space<vmem>>)
    %add3A_38 = arith.constant 32 : i32
    %add3A_39 = arith.addi %mul3A_2, %add3A_38 : i32
    "tpu.region"() ({
      %run_scoped3A = tpu.sem_alloc : memref<!tpu.dma_semaphore, #tpu.memory_space<semaphore_mem>>
      %dma_start3A_65 = arith.constant 0 : i32
      %dma_start3A_66 = tpu.memref_slice %arg4[%add3A_39, %dma_start3A_65] : memref<4096x1024xf32, #tpu.memory_space<hbm>> -> memref<32x1024xf32, #tpu.memory_space<hbm>>
      %dma_start3A_67 = arith.constant 0 : i32
      %dma_start3A_68 = tpu.memref_slice %arg4[%add3A_39, %dma_start3A_67] : memref<4096x1024xf32, #tpu.memory_space<hbm>> -> memref<32x1024xf32, #tpu.memory_space<hbm>>
      tpu.enqueue_dma source(%arg7 : memref<32x1024xf32, #tpu.memory_space<vmem>>) target(%dma_start3A_68 : memref<32x1024xf32, #tpu.memory_space<hbm>>) target_semaphore(%run_scoped3A : memref<!tpu.dma_semaphore, #tpu.memory_space<semaphore_mem>>)
      %dma_wait3A_69 = arith.constant 0 : i32
      %dma_wait3A_70 = tpu.memref_slice %arg4[%add3A_39, %dma_wait3A_69] : memref<4096x1024xf32, #tpu.memory_space<hbm>> -> memref<32x1024xf32, #tpu.memory_space<hbm>>
      %dma_wait3A_71 = arith.constant 0 : i32
      %dma_wait3A_72 = tpu.memref_slice %arg4[%add3A_39, %dma_wait3A_71] : memref<4096x1024xf32, #tpu.memory_space<hbm>> -> memref<32x1024xf32, #tpu.memory_space<hbm>>
      tpu.wait_dma2 semaphore(%run_scoped3A : memref<!tpu.dma_semaphore, #tpu.memory_space<semaphore_mem>>) src(%arg7 : memref<32x1024xf32, #tpu.memory_space<vmem>>) dst(%dma_wait3A_72 : memref<32x1024xf32, #tpu.memory_space<hbm>>)
      tpu.yield
    }) : () -> ()
    %dma_start3A_40 = arith.constant 3 : i32
    %dma_start3A_41 = arith.constant 0 : i32
    %dma_start3A_42 = tpu.memref_slice %arg5[%dma_start3A_40, %dma_start3A_41] : memref<4x32xi32, #tpu.memory_space<vmem>> -> memref<1x32xi32, #tpu.memory_space<vmem>>
    %dma_start3A_43 = tpu.memref_squeeze %dma_start3A_42 : memref<1x32xi32, #tpu.memory_space<vmem>> -> memref<32xi32, #tpu.memory_space<vmem>>
    %dma_start3A_44 = arith.constant 0 : i32
    %dma_start3A_45 = arith.constant 0 : i32
    %dma_start3A_46 = tpu.memref_slice %arg3[%dma_start3A_44, %dma_start3A_45] : memref<100000x1024xf32, #tpu.memory_space<hbm>> -> memref<100000x1024xf32, #tpu.memory_space<hbm>>
    tpu.enqueue_indirect_dma source(%dma_start3A_46 : memref<100000x1024xf32, #tpu.memory_space<hbm>>) target(%arg7 : memref<32x1024xf32, #tpu.memory_space<vmem>>) offsets(%dma_start3A_43 : memref<32xi32, #tpu.memory_space<vmem>>) semaphore(%arg9 : memref<!tpu.dma_semaphore, #tpu.memory_space<semaphore_mem>>)
    %dma_wait3A_47 = arith.constant 2 : i32
    %dma_wait3A_48 = arith.constant 0 : i32
    %dma_wait3A_49 = tpu.memref_slice %arg5[%dma_wait3A_47, %dma_wait3A_48] : memref<4x32xi32, #tpu.memory_space<vmem>> -> memref<1x32xi32, #tpu.memory_space<vmem>>
    %dma_wait3A_50 = tpu.memref_squeeze %dma_wait3A_49 : memref<1x32xi32, #tpu.memory_space<vmem>> -> memref<32xi32, #tpu.memory_space<vmem>>
    %dma_wait3A_51 = arith.constant 0 : i32
    %dma_wait3A_52 = arith.constant 0 : i32
    %dma_wait3A_53 = tpu.memref_slice %arg3[%dma_wait3A_51, %dma_wait3A_52] : memref<100000x1024xf32, #tpu.memory_space<hbm>> -> memref<100000x1024xf32, #tpu.memory_space<hbm>>
    tpu.wait_indirect_dma semaphore(%arg8 : memref<!tpu.dma_semaphore, #tpu.memory_space<semaphore_mem>>) src(%dma_wait3A_53 : memref<100000x1024xf32, #tpu.memory_space<hbm>>) dst(%arg6 : memref<32x1024xf32, #tpu.memory_space<vmem>>)
    %add3A_54 = arith.constant 64 : i32
    %add3A_55 = arith.addi %mul3A_2, %add3A_54 : i32
    "tpu.region"() ({
      %run_scoped3A = tpu.sem_alloc : memref<!tpu.dma_semaphore, #tpu.memory_space<semaphore_mem>>
      %dma_start3A_65 = arith.constant 0 : i32
      %dma_start3A_66 = tpu.memref_slice %arg4[%add3A_55, %dma_start3A_65] : memref<4096x1024xf32, #tpu.memory_space<hbm>> -> memref<32x1024xf32, #tpu.memory_space<hbm>>
      %dma_start3A_67 = arith.constant 0 : i32
      %dma_start3A_68 = tpu.memref_slice %arg4[%add3A_55, %dma_start3A_67] : memref<4096x1024xf32, #tpu.memory_space<hbm>> -> memref<32x1024xf32, #tpu.memory_space<hbm>>
      tpu.enqueue_dma source(%arg6 : memref<32x1024xf32, #tpu.memory_space<vmem>>) target(%dma_start3A_68 : memref<32x1024xf32, #tpu.memory_space<hbm>>) target_semaphore(%run_scoped3A : memref<!tpu.dma_semaphore, #tpu.memory_space<semaphore_mem>>)
      %dma_wait3A_69 = arith.constant 0 : i32
      %dma_wait3A_70 = tpu.memref_slice %arg4[%add3A_55, %dma_wait3A_69] : memref<4096x1024xf32, #tpu.memory_space<hbm>> -> memref<32x1024xf32, #tpu.memory_space<hbm>>
      %dma_wait3A_71 = arith.constant 0 : i32
      %dma_wait3A_72 = tpu.memref_slice %arg4[%add3A_55, %dma_wait3A_71] : memref<4096x1024xf32, #tpu.memory_space<hbm>> -> memref<32x1024xf32, #tpu.memory_space<hbm>>
      tpu.wait_dma2 semaphore(%run_scoped3A : memref<!tpu.dma_semaphore, #tpu.memory_space<semaphore_mem>>) src(%arg6 : memref<32x1024xf32, #tpu.memory_space<vmem>>) dst(%dma_wait3A_72 : memref<32x1024xf32, #tpu.memory_space<hbm>>)
      tpu.yield
    }) : () -> ()
    %dma_wait3A_56 = arith.constant 3 : i32
    %dma_wait3A_57 = arith.constant 0 : i32
    %dma_wait3A_58 = tpu.memref_slice %arg5[%dma_wait3A_56, %dma_wait3A_57] : memref<4x32xi32, #tpu.memory_space<vmem>> -> memref<1x32xi32, #tpu.memory_space<vmem>>
    %dma_wait3A_59 = tpu.memref_squeeze %dma_wait3A_58 : memref<1x32xi32, #tpu.memory_space<vmem>> -> memref<32xi32, #tpu.memory_space<vmem>>
    %dma_wait3A_60 = arith.constant 0 : i32
    %dma_wait3A_61 = arith.constant 0 : i32
    %dma_wait3A_62 = tpu.memref_slice %arg3[%dma_wait3A_60, %dma_wait3A_61] : memref<100000x1024xf32, #tpu.memory_space<hbm>> -> memref<100000x1024xf32, #tpu.memory_space<hbm>>
    tpu.wait_indirect_dma semaphore(%arg9 : memref<!tpu.dma_semaphore, #tpu.memory_space<semaphore_mem>>) src(%dma_wait3A_62 : memref<100000x1024xf32, #tpu.memory_space<hbm>>) dst(%arg7 : memref<32x1024xf32, #tpu.memory_space<vmem>>)
    %add3A_63 = arith.constant 96 : i32
    %add3A_64 = arith.addi %mul3A_2, %add3A_63 : i32
    "tpu.region"() ({
      %run_scoped3A = tpu.sem_alloc : memref<!tpu.dma_semaphore, #tpu.memory_space<semaphore_mem>>
      %dma_start3A_65 = arith.constant 0 : i32
      %dma_start3A_66 = tpu.memref_slice %arg4[%add3A_64, %dma_start3A_65] : memref<4096x1024xf32, #tpu.memory_space<hbm>> -> memref<32x1024xf32, #tpu.memory_space<hbm>>
      %dma_start3A_67 = arith.constant 0 : i32
      %dma_start3A_68 = tpu.memref_slice %arg4[%add3A_64, %dma_start3A_67] : memref<4096x1024xf32, #tpu.memory_space<hbm>> -> memref<32x1024xf32, #tpu.memory_space<hbm>>
      tpu.enqueue_dma source(%arg7 : memref<32x1024xf32, #tpu.memory_space<vmem>>) target(%dma_start3A_68 : memref<32x1024xf32, #tpu.memory_space<hbm>>) target_semaphore(%run_scoped3A : memref<!tpu.dma_semaphore, #tpu.memory_space<semaphore_mem>>)
      %dma_wait3A_69 = arith.constant 0 : i32
      %dma_wait3A_70 = tpu.memref_slice %arg4[%add3A_64, %dma_wait3A_69] : memref<4096x1024xf32, #tpu.memory_space<hbm>> -> memref<32x1024xf32, #tpu.memory_space<hbm>>
      %dma_wait3A_71 = arith.constant 0 : i32
      %dma_wait3A_72 = tpu.memref_slice %arg4[%add3A_64, %dma_wait3A_71] : memref<4096x1024xf32, #tpu.memory_space<hbm>> -> memref<32x1024xf32, #tpu.memory_space<hbm>>
      tpu.wait_dma2 semaphore(%run_scoped3A : memref<!tpu.dma_semaphore, #tpu.memory_space<semaphore_mem>>) src(%arg7 : memref<32x1024xf32, #tpu.memory_space<vmem>>) dst(%dma_wait3A_72 : memref<32x1024xf32, #tpu.memory_space<hbm>>)
      tpu.yield
    }) : () -> ()
    return
  }
}

module attributes {stable_mosaic.version = 14 : i64} {
  func.func @_ln_body_first(%arg0: i32, %arg1: i32, %arg2: memref<512x1024xf32, #tpu.memory_space<vmem>>, %arg3: memref<512x1024xf32, #tpu.memory_space<vmem>>, %arg4: memref<1x1024xf32, #tpu.memory_space<vmem>>, %arg5: memref<1x1024xf32, #tpu.memory_space<vmem>>, %arg6: memref<512x1024xf32, #tpu.memory_space<vmem>>) attributes {dimension_semantics = [#tpu.dimension_semantics<arbitrary>, #tpu.dimension_semantics<arbitrary>], iteration_bounds = array<i64: 4, 2>, scalar_prefetch = 0 : i64, scratch_operands = 0 : i64, tpu.core_type = #tpu.core_type<tc>, window_params = [{transform_indices = @transform_0, window_bounds = array<i64: 512, 1024>}, {transform_indices = @transform_1, window_bounds = array<i64: 512, 1024>}, {pipeline_mode = #tpu.pipeline_mode<synchronous>, transform_indices = @transform_2, window_bounds = array<i64: 1, 1024>}, {pipeline_mode = #tpu.pipeline_mode<synchronous>, transform_indices = @transform_3, window_bounds = array<i64: 1, 1024>}, {transform_indices = @transform_4, window_bounds = array<i64: 512, 1024>}]} {
    %get3A = arith.constant 0 : index
    %get3A_0 = arith.constant 0 : index
    %get3A_1 = vector.load %arg2[%get3A, %get3A_0] : memref<512x1024xf32, #tpu.memory_space<vmem>>, vector<512x1024xf32>
    %get3A_2 = arith.constant 0 : index
    %get3A_3 = arith.constant 0 : index
    %get3A_4 = vector.load %arg3[%get3A_2, %get3A_3] : memref<512x1024xf32, #tpu.memory_space<vmem>>, vector<512x1024xf32>
    %add3A = arith.addf %get3A_1, %get3A_4 : vector<512x1024xf32>
    %reduce_sum3A = arith.constant dense<0.000000e+00> : vector<512xf32>
    %reduce_sum3A_5 = vector.multi_reduction <add>, %add3A, %reduce_sum3A [1] : vector<512x1024xf32> to vector<512xf32>
    %broadcast_in_dim3A = vector.shape_cast %reduce_sum3A_5 : vector<512xf32> to vector<512x1xf32>
    %div3A = arith.constant 1.024000e+03 : f32
    %div3A_6 = vector.broadcast %div3A : f32 to vector<512x1xf32>
    %div3A_7 = arith.divf %broadcast_in_dim3A, %div3A_6 : vector<512x1xf32>
    %sub3A = vector.broadcast %div3A_7 : vector<512x1xf32> to vector<512x1024xf32>
    %sub3A_8 = arith.subf %add3A, %sub3A : vector<512x1024xf32>
    %mul3A = arith.mulf %sub3A_8, %sub3A_8 : vector<512x1024xf32>
    %reduce_sum3A_9 = arith.constant dense<0.000000e+00> : vector<512xf32>
    %reduce_sum3A_10 = vector.multi_reduction <add>, %mul3A, %reduce_sum3A_9 [1] : vector<512x1024xf32> to vector<512xf32>
    %broadcast_in_dim3A_11 = vector.shape_cast %reduce_sum3A_10 : vector<512xf32> to vector<512x1xf32>
    %div3A_12 = arith.constant 1.024000e+03 : f32
    %div3A_13 = vector.broadcast %div3A_12 : f32 to vector<512x1xf32>
    %div3A_14 = arith.divf %broadcast_in_dim3A_11, %div3A_13 : vector<512x1xf32>
    %add3A_15 = arith.constant 9.99999974E-6 : f32
    %add3A_16 = vector.broadcast %add3A_15 : f32 to vector<512x1xf32>
    %add3A_17 = arith.addf %div3A_14, %add3A_16 : vector<512x1xf32>
    %rsqrt3A = math.rsqrt %add3A_17 : vector<512x1xf32>
    %mul3A_18 = vector.broadcast %rsqrt3A : vector<512x1xf32> to vector<512x1024xf32>
    %mul3A_19 = arith.mulf %sub3A_8, %mul3A_18 : vector<512x1024xf32>
    %get3A_20 = arith.constant 0 : index
    %get3A_21 = arith.constant 0 : index
    %get3A_22 = vector.load %arg4[%get3A_20, %get3A_21] : memref<1x1024xf32, #tpu.memory_space<vmem>>, vector<1x1024xf32>
    %mul3A_23 = vector.broadcast %get3A_22 : vector<1x1024xf32> to vector<512x1024xf32>
    %mul3A_24 = arith.mulf %mul3A_19, %mul3A_23 : vector<512x1024xf32>
    %get3A_25 = arith.constant 0 : index
    %get3A_26 = arith.constant 0 : index
    %get3A_27 = vector.load %arg5[%get3A_25, %get3A_26] : memref<1x1024xf32, #tpu.memory_space<vmem>>, vector<1x1024xf32>
    %add3A_28 = vector.broadcast %get3A_27 : vector<1x1024xf32> to vector<512x1024xf32>
    %add3A_29 = arith.addf %mul3A_24, %add3A_28 : vector<512x1024xf32>
    %swap3A = arith.constant 0 : index
    %swap3A_30 = arith.constant 0 : index
    %swap3A_31 = vector.load %arg6[%swap3A, %swap3A_30] : memref<512x1024xf32, #tpu.memory_space<vmem>>, vector<512x1024xf32>
    tpu.vector_store %arg6[%swap3A, %swap3A_30], %add3A_29 {strides = array<i32>} : memref<512x1024xf32, #tpu.memory_space<vmem>>, vector<512x1024xf32>,
    return
  }
  func.func @transform_0(%arg0: i32, %arg1: i32) -> (i32, i32) {
    %mul3A = arith.constant 4 : i32
    %mul3A_0 = arith.muli %arg1, %mul3A : i32
    %add3A = arith.addi %mul3A_0, %arg0 : i32
    %c0_i32 = arith.constant 0 : i32
    %c0_i32_1 = arith.constant 0 : i32
    return %add3A, %c0_i32 : i32, i32
  }
  func.func @transform_1(%arg0: i32, %arg1: i32) -> (i32, i32) {
    %c0_i32 = arith.constant 0 : i32
    %c0_i32_0 = arith.constant 0 : i32
    return %arg0, %c0_i32 : i32, i32
  }
  func.func @transform_2(%arg0: i32, %arg1: i32) -> (i32, i32) {
    %c0_i32 = arith.constant 0 : i32
    %c0_i32_0 = arith.constant 0 : i32
    %c0_i32_1 = arith.constant 0 : i32
    return %c0_i32, %c0_i32_0 : i32, i32
  }
  func.func @transform_3(%arg0: i32, %arg1: i32) -> (i32, i32) {
    %c0_i32 = arith.constant 0 : i32
    %c0_i32_0 = arith.constant 0 : i32
    %c0_i32_1 = arith.constant 0 : i32
    return %c0_i32, %c0_i32_0 : i32, i32
  }
  func.func @transform_4(%arg0: i32, %arg1: i32) -> (i32, i32) {
    %add3A = arith.constant 0 : i32
    %add3A_0 = arith.addi %add3A, %arg1 : i32
    %mul3A = arith.constant 4 : i32
    %mul3A_1 = arith.muli %add3A_0, %mul3A : i32
    %add3A_2 = arith.addi %mul3A_1, %arg0 : i32
    %c0_i32 = arith.constant 0 : i32
    %c0_i32_3 = arith.constant 0 : i32
    return %add3A_2, %c0_i32 : i32, i32
  }
}

module attributes {stable_mosaic.version = 14 : i64} {
  func.func @_ln_body_rest(%arg0: i32, %arg1: i32, %arg2: memref<512x1024xf32, #tpu.memory_space<vmem>>, %arg3: memref<8192x1024xf32, #tpu.memory_space<hbm>>, %arg4: memref<512x1024xf32, #tpu.memory_space<vmem>>, %arg5: memref<1x1024xf32, #tpu.memory_space<vmem>>, %arg6: memref<1x1024xf32, #tpu.memory_space<vmem>>, %arg7: memref<512x1024xf32, #tpu.memory_space<vmem>>) attributes {dimension_semantics = [#tpu.dimension_semantics<arbitrary>, #tpu.dimension_semantics<arbitrary>], iteration_bounds = array<i64: 4, 2>, scalar_prefetch = 0 : i64, scratch_operands = 0 : i64, tpu.core_type = #tpu.core_type<tc>, window_params = [{transform_indices = @transform_0, window_bounds = array<i64: 512, 1024>}, {}, {transform_indices = @transform_2, window_bounds = array<i64: 512, 1024>}, {pipeline_mode = #tpu.pipeline_mode<synchronous>, transform_indices = @transform_3, window_bounds = array<i64: 1, 1024>}, {pipeline_mode = #tpu.pipeline_mode<synchronous>, transform_indices = @transform_4, window_bounds = array<i64: 1, 1024>}, {transform_indices = @transform_5, window_bounds = array<i64: 512, 1024>}]} {
    %get3A = arith.constant 0 : index
    %get3A_0 = arith.constant 0 : index
    %get3A_1 = vector.load %arg2[%get3A, %get3A_0] : memref<512x1024xf32, #tpu.memory_space<vmem>>, vector<512x1024xf32>
    %get3A_2 = arith.constant 0 : index
    %get3A_3 = arith.constant 0 : index
    %get3A_4 = vector.load %arg4[%get3A_2, %get3A_3] : memref<512x1024xf32, #tpu.memory_space<vmem>>, vector<512x1024xf32>
    %add3A = arith.addf %get3A_1, %get3A_4 : vector<512x1024xf32>
    %reduce_sum3A = arith.constant dense<0.000000e+00> : vector<512xf32>
    %reduce_sum3A_5 = vector.multi_reduction <add>, %add3A, %reduce_sum3A [1] : vector<512x1024xf32> to vector<512xf32>
    %broadcast_in_dim3A = vector.shape_cast %reduce_sum3A_5 : vector<512xf32> to vector<512x1xf32>
    %div3A = arith.constant 1.024000e+03 : f32
    %div3A_6 = vector.broadcast %div3A : f32 to vector<512x1xf32>
    %div3A_7 = arith.divf %broadcast_in_dim3A, %div3A_6 : vector<512x1xf32>
    %sub3A = vector.broadcast %div3A_7 : vector<512x1xf32> to vector<512x1024xf32>
    %sub3A_8 = arith.subf %add3A, %sub3A : vector<512x1024xf32>
    %mul3A = arith.mulf %sub3A_8, %sub3A_8 : vector<512x1024xf32>
    %reduce_sum3A_9 = arith.constant dense<0.000000e+00> : vector<512xf32>
    %reduce_sum3A_10 = vector.multi_reduction <add>, %mul3A, %reduce_sum3A_9 [1] : vector<512x1024xf32> to vector<512xf32>
    %broadcast_in_dim3A_11 = vector.shape_cast %reduce_sum3A_10 : vector<512xf32> to vector<512x1xf32>
    %div3A_12 = arith.constant 1.024000e+03 : f32
    %div3A_13 = vector.broadcast %div3A_12 : f32 to vector<512x1xf32>
    %div3A_14 = arith.divf %broadcast_in_dim3A_11, %div3A_13 : vector<512x1xf32>
    %add3A_15 = arith.constant 9.99999974E-6 : f32
    %add3A_16 = vector.broadcast %add3A_15 : f32 to vector<512x1xf32>
    %add3A_17 = arith.addf %div3A_14, %add3A_16 : vector<512x1xf32>
    %rsqrt3A = math.rsqrt %add3A_17 : vector<512x1xf32>
    %mul3A_18 = vector.broadcast %rsqrt3A : vector<512x1xf32> to vector<512x1024xf32>
    %mul3A_19 = arith.mulf %sub3A_8, %mul3A_18 : vector<512x1024xf32>
    %get3A_20 = arith.constant 0 : index
    %get3A_21 = arith.constant 0 : index
    %get3A_22 = vector.load %arg5[%get3A_20, %get3A_21] : memref<1x1024xf32, #tpu.memory_space<vmem>>, vector<1x1024xf32>
    %mul3A_23 = vector.broadcast %get3A_22 : vector<1x1024xf32> to vector<512x1024xf32>
    %mul3A_24 = arith.mulf %mul3A_19, %mul3A_23 : vector<512x1024xf32>
    %get3A_25 = arith.constant 0 : index
    %get3A_26 = arith.constant 0 : index
    %get3A_27 = vector.load %arg6[%get3A_25, %get3A_26] : memref<1x1024xf32, #tpu.memory_space<vmem>>, vector<1x1024xf32>
    %add3A_28 = vector.broadcast %get3A_27 : vector<1x1024xf32> to vector<512x1024xf32>
    %add3A_29 = arith.addf %mul3A_24, %add3A_28 : vector<512x1024xf32>
    %swap3A = arith.constant 0 : index
    %swap3A_30 = arith.constant 0 : index
    %swap3A_31 = vector.load %arg7[%swap3A, %swap3A_30] : memref<512x1024xf32, #tpu.memory_space<vmem>>, vector<512x1024xf32>
    tpu.vector_store %arg7[%swap3A, %swap3A_30], %add3A_29 {strides = array<i32>} : memref<512x1024xf32, #tpu.memory_space<vmem>>, vector<512x1024xf32>,
    return
  }
  func.func @transform_0(%arg0: i32, %arg1: i32) -> (i32, i32) {
    %mul3A = arith.constant 4 : i32
    %mul3A_0 = arith.muli %arg1, %mul3A : i32
    %add3A = arith.addi %mul3A_0, %arg0 : i32
    %c0_i32 = arith.constant 0 : i32
    %c0_i32_1 = arith.constant 0 : i32
    return %add3A, %c0_i32 : i32, i32
  }
  func.func @transform_2(%arg0: i32, %arg1: i32) -> (i32, i32) {
    %c0_i32 = arith.constant 0 : i32
    %c0_i32_0 = arith.constant 0 : i32
    return %arg0, %c0_i32 : i32, i32
  }
  func.func @transform_3(%arg0: i32, %arg1: i32) -> (i32, i32) {
    %c0_i32 = arith.constant 0 : i32
    %c0_i32_0 = arith.constant 0 : i32
    %c0_i32_1 = arith.constant 0 : i32
    return %c0_i32, %c0_i32_0 : i32, i32
  }
  func.func @transform_4(%arg0: i32, %arg1: i32) -> (i32, i32) {
    %c0_i32 = arith.constant 0 : i32
    %c0_i32_0 = arith.constant 0 : i32
    %c0_i32_1 = arith.constant 0 : i32
    return %c0_i32, %c0_i32_0 : i32, i32
  }
  func.func @transform_5(%arg0: i32, %arg1: i32) -> (i32, i32) {
    %add3A = arith.constant 2 : i32
    %add3A_0 = arith.addi %add3A, %arg1 : i32
    %mul3A = arith.constant 4 : i32
    %mul3A_1 = arith.muli %add3A_0, %mul3A : i32
    %add3A_2 = arith.addi %mul3A_1, %arg0 : i32
    %c0_i32 = arith.constant 0 : i32
    %c0_i32_3 = arith.constant 0 : i32
    return %add3A_2, %c0_i32 : i32, i32
  }
}

</mosaic_0001>

<sc_bundles>
// kernel: kernel.6.cloned.1.call-start
scs
__scs_entry_jumppad:
0x0: {  	(pc) =	sbr.rel $0x88, $3  }
0x1: {  	(tag) =	ssettag $0x0;
	lr =	simm.s32 $0x1  }
0x2: {  	[smem:$0x3F9C] =	sst lr;
	_ =	strace $0xD0000000  }
0x3: {  	_ = 	snop  }
0x4: {  	_ = 	snop  }
0x5: {  	_ = 	snop  }
0x6: {  	_ = 	snop  }
0x7: {  	_ = 	snop  }
__scs_overlays_trampoline_lowered:
0x8: {  	[smem:$0x3FAB] =	sst s0  }
0x9: {  	[smem:$0x3FAC] =	sst s1  }
0xa: {  	[smem:$0x3FAD] =	sst s2  }
0xb: {  	[smem:$0x3FAE] =	sst s3  }
0xc: {  	[smem:$0x3FAF] =	sst s4  }
0xd: {  	[smem:$0x3FB0] =	sst s5  }
0xe: {  	[smem:$0x3FB1] =	sst s6  }
0xf: {  	[smem:$0x3FB2] =	sst s7  }
0x10: {  	[smem:$0x3FB3] =	sst s8  }
0x11: {  	[smem:$0x3FB4] =	sst s9;
	s0 =	simm.s32 @!p0 $0x0  }
0x12: {  	s1 =	sld [smem:$0x3F9A];
	s0 =	simm.s32 @p0 $0x1  }
0x13: {  	[smem:$0x3FB5] =	sst s0;
	s0 =	simm.s32 @!p1 $0x0  }
0x14: {  	s2 =	sld [smem:$0x3F99];
	s0 =	simm.s32 @p1 $0x1  }
0x15: {  	[smem:$0x3FB6] =	sst s0;
	s0 =	simm.s32 @!p2 $0x0  }
0x16: {  	s3 =	sld [smem:$0x3FDB];
	s0 =	simm.s32 @p2 $0x1  }
0x17: {  	s4 =	simm.s32 $0x1BF5;
	[smem:$0x3FB8] =	sst s0  }
0x18: {  	s0 =	sld [smem:$0x3F9B];
	_ =	swait.ge [sflag:s4], $0x0  }
0x19: {  	s7 =	sld [smem:$0x3F9C]  }
0x1a: {  	s8 =	sadd.s32 $0xFFFFE003, lr  }
0x1b: {  	s9 =	sadd.s32 $0xFFFFFEF7, lr;
	s5 =	simm.s32 $0xFFFFFFFF;
	p2 =	slt.u32 s8, $0xFFFFF086  }
0x1c: {  	p1 =	slt.u32 s9, $0xF7A;
	s5 =	simm.s32 @!p2 $0x0  }
0x1d: {  	s5 =	simm.s32 @p1 $0x1;
	p0 =	seq.s32 s7, s2  }
0x1e: {  	s7 =	smul.u32 @!p0 $0xF7A, s2;
	p2 =	seq.s32 @!p0 s5, $0x0  }
0x1f: {  	s9 =	smul.u32 $0xF7A, s1;
	s8 =	simm.s32 @!p0 $0x1BF5;
	p2 =	por !p2, p0  }
0x20: {  	[sflag:s8] =	ssyncset.s32 @!p0 $0xFFFFF086;
	s6 =	sadd.s32 @!p0 s3, s7;
	s7 =	simm.s32 @!p0 $0x108  }
0x21: {  	s3 =	sadd.s32 s3, s9;
	s6 =	sadd.s32 @!p0 $0x88, s6;
	s7 =	simm.s32 @p2 $0x1082  }
0x22: {  	[simem:s7], [sflag:s8] =	dma.local @!p0 [hbm:s6], $0xF7A  }
0x23: {  	s9 =	sor.u32 $0xD0000000, s2;
	s6 =	simm.s32 $0x108;
	_ =	swait.ge @!p0 [sflag:s8], $0x0  }
0x24: {  	s3 =	sadd.s32 $0x88, s3;
	s6 =	simm.s32 @!p1 $0x1082;
	[sflag:s4] =	ssyncset.s32 $0xFFFFF086  }
0x25: {  	[simem:s6], [sflag:s4] =	dma.local [hbm:s3], $0xF7A  }
0x26: {  	[smem:$0x3F9C] =	sst s1;
	(tag) =	ssettag s2;
	_ =	strace s9  }
0x27: {  	s1 =	sld [smem:$0x3FAC]  }
0x28: {  	s2 =	sld [smem:$0x3FAD]  }
0x29: {  	s4 =	sld [smem:$0x3FAF]  }
0x2a: {  	p0 =	seq.s32 s5, $0x0;
	s5 =	sld [smem:$0x3FB0]  }
0x2b: {  	s6 =	sld [smem:$0x3FB1]  }
0x2c: {  	s7 =	sld [smem:$0x3FB2]  }
0x2d: {  	s3 =	simm.s32 $0x108;
	s8 =	sld [smem:$0x3FB3]  }
0x2e: {  	s3 =	simm.s32 @!p0 $0x1082;
	s9 =	sld [smem:$0x3FB4]  }
0x2f: {  	lr =	sadd.s32 s0, s3;
	s0 =	sld [smem:$0x3FAB]  }
0x30: {  	s3 =	sld [smem:$0x3FAE]  }
0x31: {  	[smem:$0x3FB7] =	sst s10  }
0x32: {  	s10 =	sld [smem:$0x3FB5];
	_ =	sdelay $0x3  }
0x33: {  	p0 =	seq.s32 s10, $0x1;
	s10 =	sld [smem:$0x3FB7];
	_ =	sdelay $0x3  }
0x34: {  	[smem:$0x3FB7] =	sst s10  }
0x35: {  	s10 =	sld [smem:$0x3FB6];
	_ =	sdelay $0x3  }
0x36: {  	p1 =	seq.s32 s10, $0x1;
	s10 =	sld [smem:$0x3FB7];
	_ =	sdelay $0x3  }
0x37: {  	[smem:$0x3FB7] =	sst s10  }
0x38: {  	s10 =	sld [smem:$0x3FB8]  }
0x39: {  	_ = 	snop;
	(pc) =	sbr.ind lr, $3  }
0x3a: {  	_ = 	snop  }
0x3b: {  	_ = 	snop  }
0x3c: {  	p2 =	seq.s32 s10, $0x1;
	s10 =	sld [smem:$0x3FB7]  }
0x3d: {  	_ =	shalt  }
0x3e: {  	_ =	shalt  }
0x3f: {  	_ =	shalt  }
0x40: {  	_ =	shalt  }
0x41: {  	_ =	shalt  }
0x42: {  	_ =	shalt  }
0x43: {  	_ =	shalt  }
0x44: {  	_ =	shalt  }
0x45: {  	_ =	shalt  }
0x46: {  	_ =	shalt  }
0x47: {  	_ =	shalt  }
0x48: {  	_ =	shalt  }
0x49: {  	_ =	shalt  }
0x4a: {  	_ =	shalt  }
0x4b: {  	_ =	shalt  }
0x4c: {  	_ =	shalt  }
0x4d: {  	_ =	shalt  }
0x4e: {  	_ =	shalt  }
0x4f: {  	_ =	shalt  }
0x50: {  	_ =	shalt  }
0x51: {  	_ =	shalt  }
0x52: {  	_ =	shalt  }
0x53: {  	_ =	shalt  }
0x54: {  	_ =	shalt  }
0x55: {  	_ =	shalt  }
0x56: {  	_ =	shalt  }
0x57: {  	_ =	shalt  }
0x58: {  	_ =	shalt  }
0x59: {  	_ =	shalt  }
0x5a: {  	_ =	shalt  }
0x5b: {  	_ =	shalt  }
0x5c: {  	_ =	shalt  }
0x5d: {  	_ =	shalt  }
0x5e: {  	_ =	shalt  }
0x5f: {  	_ =	shalt  }
0x60: {  	_ =	shalt  }
0x61: {  	_ =	shalt  }
0x62: {  	_ =	shalt  }
0x63: {  	_ =	shalt  }
0x64: {  	_ =	shalt  }
0x65: {  	_ =	shalt  }
0x66: {  	_ =	shalt  }
0x67: {  	_ =	shalt  }
0x68: {  	_ =	shalt  }
0x69: {  	_ =	shalt  }
0x6a: {  	_ =	shalt  }
0x6b: {  	_ =	shalt  }
0x6c: {  	_ =	shalt  }
0x6d: {  	_ =	shalt  }
0x6e: {  	_ =	shalt  }
0x6f: {  	_ =	shalt  }
0x70: {  	_ =	shalt  }
0x71: {  	_ =	shalt  }
0x72: {  	_ =	shalt  }
0x73: {  	_ =	shalt  }
0x74: {  	_ =	shalt  }
0x75: {  	_ =	shalt  }
0x76: {  	_ =	shalt  }
0x77: {  	_ =	shalt  }
0x78: {  	_ =	shalt  }
0x79: {  	_ =	shalt  }
0x7a: {  	_ =	shalt  }
0x7b: {  	_ =	shalt  }
0x7c: {  	_ =	shalt  }
0x7d: {  	_ =	shalt  }
0x7e: {  	_ =	shalt  }
0x7f: {  	_ =	shalt  }
0x80: {  	_ =	shalt  }
0x81: {  	_ =	shalt  }
0x82: {  	_ =	shalt  }
0x83: {  	_ =	shalt  }
0x84: {  	_ =	shalt  }
0x85: {  	_ =	shalt  }
0x86: {  	_ =	shalt  }
0x87: {  	_ =	shalt  }
.Lfunc_end0:
.L_simem_size_0:
called_computation_lowered:
.L_overlay_start_0:
0x88: {  	s2 =	sld [smem:$0x3FD9]  }
0x89: {  	s3 =	sld [smem:$0x3FFE];
	_ =	sdelay $0x1  }
0x8a: {  	s1 =	srdreg.scid  }
0x8b: {  	s0 =	sand.u32 $0x1, s1  }
0x8c: {  	s17 =	sshll.u32 s0, $0xA;
	s2 =	sadd.s32 s3, s2  }
0x8d: {  	s2 =	sadd.s32 s2, s17  }
0x8e: {  	[smem:$0x3FC3] =	sst s2  }
0x8f: {  	_ = 	snop  }
0x90: {  	s2 =	sld [smem:$0x3FC8]  }
0x91: {  	s18 =	sld [smem:$0x3FD0];
	(tm) =	ssettm $0x1  }
0x92: {  	s4 =	sld [smem:$0x3FFB];
	_ =	sdelay $0x3  }
0x93: {  	_ =	strace s4  }
0x94: {  	s4 =	sld [smem:$0x3FFC];
	_ =	sdelay $0x3  }
0x95: {  	_ =	strace s4  }
0x96: {  	s4 =	sld [smem:$0x3FFD];
	_ =	sdelay $0x3  }
0x97: {  	_ =	strace s4  }
0x98: {  	_ =	strace $0x8FFFFFFF  }
0x99: {  	s19 =	sld [smem:$0x3FDB];
	_ =	sdelay $0x1  }
0x9a: {  	s5 =	simm.s32 $_scs_section_size  }
0x9b: {  	s6 =	simm.s32 $_size__tile_overlayer_lowered;
	s7 =	simm.s32 $_tile_overlayer_lowered  }
0x9c: {  	s22 =	simm.s32 $0x1BFF;
	s21 =	sshll.u32 s7, $0x1;
	s4 =	sadd.s32 s5, s19  }
0x9d: {  	s8 =	simm.s32 $0x0;
	s20 =	sshll.u32 s6, $0x1;
	s6 =	sadd.s32 s21, s4  }
0x9e: {  	[timem:s8], [sflag:s22] =	dma.local [hbm:s6], s20  }
0x9f: {  	_ =	swait.ge [sflag:s22], s20  }
0xa0: {  	s5 =	ssub.s32 $0x0, s20;
	[sflag:s22] =	ssyncset.done $0x0  }
0xa1: {  	[sflag:s22] =	ssyncadd.s32 s5;
	_ =	sdelay $0x1  }
0xa2: {  	s23 =	simm.s32 $0x1B8B  }
0xa3: {  	_ =	swait.ge [sflag:s23], $0x1  }
0xa4: {  	[sflag:s23] =	ssyncset.done $0x0  }
0xa5: {  	s25 =	simm.s32 $0x1B8E;
	s24 =	sld [smem:$0x3FFE];
	[sflag:s23] =	ssyncadd.s32 $0xFFFFFFFF  }
0xa6: {  	s26 =	simm.s32 $execute0_lowered;
	[smem:$0x3FD2] =	sst s25  }
0xa7: {  	s6 =	sshll.u32 s26, $0x1;
	_ =	strace $0x80000046;
	[dreg:$0x1] =	wrdreg $0xFFFFFFFF  }
0xa8: {  	s28 =	simm.s32 $_size_execute0_lowered;
	s4 =	sadd.s32 s4, s6;
	[dreg:$0x0] =	wrdreg $0x0  }
0xa9: {  	s6 =	sshll.u32 s28, $0x1;
	[dreg:$0x2] =	wrdreg s4  }
0xaa: {  	[dreg:$0x3] =	wrdreg s6  }
0xab: {  	[dreg:$0x4] =	wrdreg $0xC0  }
0xac: {  	_ =	task [dreg:s8], $0x5FFFF  }
0xad: {  	[dreg:$0x1] =	wrdreg $0xFFFFFFFF  }
0xae: {  	[dreg:$0x0] =	wrdreg $0x60  }
0xaf: {  	[dreg:$0x2] =	wrdreg s18  }
0xb0: {  	[dreg:$0x3] =	wrdreg s2  }
0xb1: {  	[dreg:$0x4] =	wrdreg s24  }
0xb2: {  	[dreg:$0x5] =	wrdreg $0x9  }
0xb3: {  	_ =	task.clear_ibuf [dreg:s8], $0x6FFFF;
	_ =	strace $0x90000046  }
0xb4: {  	s29 =	simm.s32 $0x9;
	_ =	strace $0x80000048  }
0xb5: {  	_ =	swait.ge [sflag:s29], $0x1  }
0xb6: {  	[sflag:s29] =	ssyncadd.s32 $0xFFFFFFFF  }
0xb7: {  	_ =	strace $0x90000048  }
0xb8: {  	_ =	sfence  }
0xb9: {  	s30 =	sld [smem:$0x0];
	_ =	sdelay $0x2  }
0xba: {  	s31 =	sshll.u32 s1, $0xD;
	s1 =	sshrl.u32 s1, $0x2  }
0xbb: {  	s3 =	sand.u32 $0x4000, s31;
	s1 =	sadd.s32 s1, s30  }
0xbc: {  	s0 =	sor.u32 s3, s0;
	s1 =	sshll.u32 s1, $0x11  }
0xbd: {  	s0 =	sor.u32 s1, s0  }
0xbe: {  	s0 =	sadd.s32 $0x8F2B, s0  }
0xbf: {  	[sflag:s0] =	ssyncadd.remote.s32 $0x1  }
0xc0: {  	_ =	sfence.sel $0xFFFF  }
0xc1: {  	[dreg:$0x0] =	wrdreg $0xFFFFFFFF;
	(pc) =	sbr.abs _section_cstart, $3  }
0xc2: {  	[dreg:$0x1] =	wrdreg $0xFFFFFFFF  }
0xc3: {  	_ =	task.clear_ibuf [dreg:s8], $0x2FFFF;
	_ =	strace $0x9FFFFFFF  }
0xc4: {  	(tm) =	ssettm $0x7FFFFFFF  }
0xc5: {  	_ =	shalt  }
tec
execute0_lowered:
.L_overlay_start_1:
0x0: {  	(tag) =	ssettag $0x1  }
0x1: {  	s0 =	rddreg [dreg:$0x0]  }
0x2: {  	s2 =	rddreg [dreg:$0x1];
	s1 =	srdreg.scid  }
0x3: {  	s3 =	stileid.u32;
	s4 =	rddreg [dreg:$0x2];
	s8 =	simm.s32 $0x3  }
0x4: {  	s9 =	simm.s32 $0x1;
	s19 =	simm.s32 $0x2;
	s21 =	simm.s32 $0xA00  }
0x5: {  	s28 =	simm.s32 $0x3200;
	s29 =	simm.s32 $0x3A00;
	s30 =	simm.s32 $0x4200  }
0x6: {  	s31 =	simm.s32 $0x4A00;
	s10 =	simm.s32 $0x6200;
	s11 =	simm.s32 $0x6A00  }
0x7: {  	s12 =	simm.s32 $0x7200;
	s13 =	simm.s32 $0x7A00;
	s18 =	simm.s32 $0x8200  }
0x8: {  	s14 =	simm.s32 $0x8A00;
	s15 =	simm.s32 $0x9200;
	s16 =	simm.s32 $0x9A00  }
0x9: {  	s1 =	sand.u32 $0x1, s1;
	s5 =	sshll.u32 s3, $0x1;
	s3 =	simm.s32 $0x0  }
0xa: {  	s17 =	simm.s32 $0xA200;
	s5 =	sor.u32 s1, s5;
	[smem:$0x7FF] =	sst s3  }
0xb: {  	s1 =	ssub.s32 $0x2, s1;
	s6 =	sshll.u32 s5, $0xE;
	s5 =	sshll.u32 s5, $0x6  }
0xc: {  	_ =	strace $0x80000047;
	s23 =	sshrl.u32 s1, $0x1;
	s6 =	sadd.s32 s6, s4  }
0xd: {  	s0 =	sadd.s32 s0, s5;
	s1 =	ssub.s32 s1, s23;
	s4 =	sadd.s32 $0x100, s2  }
0xe: {  	s5 =	sadd.s32 $0x200, s2;
	[dreg:$0x4] =	wrdreg s0;
	s22 =	sadd.s32 $0x1000, s6  }
0xf: {  	s23 =	simm.s32 $0x1A00;
	s24 =	sadd.s32 $0x2000, s6;
	[dreg:$0x5] =	wrdreg s22  }
0x10: {  	s25 =	sadd.s32 $0x3000, s6;
	s26 =	sadd.s32 $0x4000, s6;
	[dreg:$0x6] =	wrdreg s24  }
0x11: {  	v2 =	vlaneseq.u32;
	s6 =	sadd.s32 $0x300, s2;
	s7 =	smax.u32 s1, $0x1;
	[dreg:$0x7] =	wrdreg s25  }
0x12: {  	vm0 =	vmmov $0xffff;
	v1 =	vshrl.u32 v2, $0x3;
	s1 =	simm.s32 $0x5200;
	[dreg:$0x8] =	wrdreg s26;
	s25 =	simm.s32 $0x200  }
0x13: {  	v0 =	vand.u32 $0x7, v2;
	v2 =	vor.u32 $0x8, v2;
	v1 =	vmul.u32 $0x8, v1;
	s22 =	simm.s32 $0x1200;
	s24 =	simm.s32 $0x2200;
	s26 =	simm.s32 $0x2A00  }
.LBB2_1:
0x14: {  	s20 =	rddreg [dreg:$0x4]  }
0x15: {  	[tilespmem:s3], [sflag:$0x3] =	stream.linear.gather [hbm4b:s20+s3], $0x200, $0x38;
	[tilespmem:$0x10200] =	vst v63  }
0x16: {  	_ =	swait.ge [sflag:s8], $0x200  }
0x17: {  	[sflag:s8] =	ssyncset.done $0x0  }
0x18: {  	[sflag:s8] =	ssyncadd.s32 $0xFFFFFE00  }
0x19: {  	v3 =	vld [tilespmem:$0x0];
	_ =	sdelay $0x4  }
0x1a: {  	v4 =	vshll.u32 v3, $0x3  }
0x1b: {  	v3 =	vand.u32 $0x7, v3;
	v4 =	vand.u32 $0xFFFFFFC0, v4  }
0x1c: {  	v3 =	vor.u32 v3, v4  }
0x1d: {  	v4 =	vperm.xlane v3, v0;
	_ =	sdelay $0x1  }
0x1e: {  	v4 =	vadd.s32 v1, v4;
	_ =	sdelay $0x4  }
0x1f: {  	[tilespmem:s25], [sflag:$0x1] =	stream.indirect_vreg.gather [hbm4b:s2+s3], $0x80, v4, vm0, $0xb8;
	[tilespmem:$0x10200] =	vst v63  }
0x20: {  	v3 =	vperm.xlane v3, v2  }
0x21: {  	[tilespmem:s21], [sflag:$0x1] =	stream.indirect_vreg.gather [hbm4b:s4+s3], $0x80, v4, vm0, $0xb8;
	[tilespmem:$0x10200] =	vst v63  }
0x22: {  	v3 =	vadd.s32 v1, v3  }
0x23: {  	[tilespmem:s22], [sflag:$0x1] =	stream.indirect_vreg.gather [hbm4b:s5+s3], $0x80, v4, vm0, $0xb8;
	[tilespmem:$0x10200] =	vst v63  }
0x24: {  	_ = 	snop  }
0x25: {  	[tilespmem:s23], [sflag:$0x1] =	stream.indirect_vreg.gather [hbm4b:s6+s3], $0x80, v4, vm0, $0xb8;
	[tilespmem:$0x10200] =	vst v63  }
0x26: {  	_ = 	snop  }
0x27: {  	[tilespmem:s24], [sflag:$0x1] =	stream.indirect_vreg.gather [hbm4b:s2+s3], $0x80, v3, vm0, $0xb8;
	[tilespmem:$0x10200] =	vst v63  }
0x28: {  	_ = 	snop  }
0x29: {  	[tilespmem:s26], [sflag:$0x1] =	stream.indirect_vreg.gather [hbm4b:s4+s3], $0x80, v3, vm0, $0xb8;
	[tilespmem:$0x10200] =	vst v63  }
0x2a: {  	_ = 	snop  }
0x2b: {  	[tilespmem:s28], [sflag:$0x1] =	stream.indirect_vreg.gather [hbm4b:s5+s3], $0x80, v3, vm0, $0xb8;
	[tilespmem:$0x10200] =	vst v63  }
0x2c: {  	_ = 	snop  }
0x2d: {  	[tilespmem:s29], [sflag:$0x1] =	stream.indirect_vreg.gather [hbm4b:s6+s3], $0x80, v3, vm0, $0xb8;
	[tilespmem:$0x10200] =	vst v63  }
0x2e: {  	v3 =	vld [tilespmem:$0x10];
	_ =	sdelay $0x4  }
0x2f: {  	v57 =	vshll.u32 v3, $0x3  }
0x30: {  	v3 =	vand.u32 $0x7, v3;
	v4 =	vand.u32 $0xFFFFFFC0, v57  }
0x31: {  	v3 =	vor.u32 v3, v4  }
0x32: {  	v4 =	vperm.xlane v3, v0;
	_ =	sdelay $0x1  }
0x33: {  	v4 =	vadd.s32 v1, v4;
	_ =	sdelay $0x4  }
0x34: {  	[tilespmem:s30], [sflag:$0x1] =	stream.indirect_vreg.gather [hbm4b:s2+s3], $0x80, v4, vm0, $0xb8;
	[tilespmem:$0x10200] =	vst v63  }
0x35: {  	v3 =	vperm.xlane v3, v2  }
0x36: {  	[tilespmem:s31], [sflag:$0x1] =	stream.indirect_vreg.gather [hbm4b:s4+s3], $0x80, v4, vm0, $0xb8;
	[tilespmem:$0x10200] =	vst v63  }
0x37: {  	v3 =	vadd.s32 v1, v3  }
0x38: {  	[tilespmem:s1], [sflag:$0x1] =	stream.indirect_vreg.gather [hbm4b:s5+s3], $0x80, v4, vm0, $0xb8;
	[tilespmem:$0x10200] =	vst v63  }
0x39: {  	s0 =	simm.s32 $0x5A00  }
0x3a: {  	[tilespmem:s0], [sflag:$0x1] =	stream.indirect_vreg.gather [hbm4b:s6+s3], $0x80, v4, vm0, $0xb8;
	[tilespmem:$0x10200] =	vst v63  }
0x3b: {  	_ = 	snop  }
0x3c: {  	[tilespmem:s10], [sflag:$0x1] =	stream.indirect_vreg.gather [hbm4b:s2+s3], $0x80, v3, vm0, $0xb8;
	[tilespmem:$0x10200] =	vst v63  }
0x3d: {  	_ = 	snop  }
0x3e: {  	[tilespmem:s11], [sflag:$0x1] =	stream.indirect_vreg.gather [hbm4b:s4+s3], $0x80, v3, vm0, $0xb8;
	[tilespmem:$0x10200] =	vst v63  }
0x3f: {  	_ = 	snop  }
0x40: {  	[tilespmem:s12], [sflag:$0x1] =	stream.indirect_vreg.gather [hbm4b:s5+s3], $0x80, v3, vm0, $0xb8;
	[tilespmem:$0x10200] =	vst v63  }
0x41: {  	_ = 	snop  }
0x42: {  	[tilespmem:s13], [sflag:$0x1] =	stream.indirect_vreg.gather [hbm4b:s6+s3], $0x80, v3, vm0, $0xb8;
	[tilespmem:$0x10200] =	vst v63  }
0x43: {  	v3 =	vld [tilespmem:$0x80];
	_ =	sdelay $0x4  }
0x44: {  	v58 =	vshll.u32 v3, $0x3  }
0x45: {  	v3 =	vand.u32 $0x7, v3;
	v4 =	vand.u32 $0xFFFFFFC0, v58  }
0x46: {  	v3 =	vor.u32 v3, v4  }
0x47: {  	v4 =	vperm.xlane v3, v0;
	_ =	sdelay $0x1  }
0x48: {  	v4 =	vadd.s32 v1, v4;
	_ =	sdelay $0x4  }
0x49: {  	[tilespmem:s18], [sflag:$0x2] =	stream.indirect_vreg.gather [hbm4b:s2+s3], $0x80, v4, vm0, $0xb8;
	[tilespmem:$0x10200] =	vst v63  }
0x4a: {  	v3 =	vperm.xlane v3, v2  }
0x4b: {  	[tilespmem:s14], [sflag:$0x2] =	stream.indirect_vreg.gather [hbm4b:s4+s3], $0x80, v4, vm0, $0xb8;
	[tilespmem:$0x10200] =	vst v63  }
0x4c: {  	v3 =	vadd.s32 v1, v3  }
0x4d: {  	[tilespmem:s15], [sflag:$0x2] =	stream.indirect_vreg.gather [hbm4b:s5+s3], $0x80, v4, vm0, $0xb8;
	[tilespmem:$0x10200] =	vst v63  }
0x4e: {  	_ = 	snop  }
0x4f: {  	[tilespmem:s16], [sflag:$0x2] =	stream.indirect_vreg.gather [hbm4b:s6+s3], $0x80, v4, vm0, $0xb8;
	[tilespmem:$0x10200] =	vst v63  }
0x50: {  	_ = 	snop  }
0x51: {  	[tilespmem:s17], [sflag:$0x2] =	stream.indirect_vreg.gather [hbm4b:s2+s3], $0x80, v3, vm0, $0xb8;
	[tilespmem:$0x10200] =	vst v63  }
0x52: {  	s20 =	simm.s32 $0xAA00  }
0x53: {  	[tilespmem:s20], [sflag:$0x2] =	stream.indirect_vreg.gather [hbm4b:s4+s3], $0x80, v3, vm0, $0xb8;
	[tilespmem:$0x10200] =	vst v63  }
0x54: {  	s20 =	simm.s32 $0xB200  }
0x55: {  	[tilespmem:s20], [sflag:$0x2] =	stream.indirect_vreg.gather [hbm4b:s5+s3], $0x80, v3, vm0, $0xb8;
	[tilespmem:$0x10200] =	vst v63  }
0x56: {  	s20 =	simm.s32 $0xBA00  }
0x57: {  	[tilespmem:s20], [sflag:$0x2] =	stream.indirect_vreg.gather [hbm4b:s6+s3], $0x80, v3, vm0, $0xb8;
	[tilespmem:$0x10200] =	vst v63  }
0x58: {  	v3 =	vld [tilespmem:$0x90];
	_ =	sdelay $0x4  }
0x59: {  	v59 =	vshll.u32 v3, $0x3  }
0x5a: {  	v3 =	vand.u32 $0x7, v3;
	v4 =	vand.u32 $0xFFFFFFC0, v59  }
0x5b: {  	v3 =	vor.u32 v3, v4  }
0x5c: {  	v4 =	vperm.xlane v3, v0;
	_ =	sdelay $0x1  }
0x5d: {  	v4 =	vadd.s32 v1, v4;
	_ =	sdelay $0x3  }
0x5e: {  	s20 =	simm.s32 $0xC200  }
0x5f: {  	[tilespmem:s20], [sflag:$0x2] =	stream.indirect_vreg.gather [hbm4b:s2+s3], $0x80, v4, vm0, $0xb8;
	[tilespmem:$0x10200] =	vst v63  }
0x60: {  	v3 =	vperm.xlane v3, v2;
	s20 =	simm.s32 $0xCA00  }
0x61: {  	[tilespmem:s20], [sflag:$0x2] =	stream.indirect_vreg.gather [hbm4b:s4+s3], $0x80, v4, vm0, $0xb8;
	[tilespmem:$0x10200] =	vst v63  }
0x62: {  	v3 =	vadd.s32 v1, v3;
	s20 =	simm.s32 $0xD200  }
0x63: {  	[tilespmem:s20], [sflag:$0x2] =	stream.indirect_vreg.gather [hbm4b:s5+s3], $0x80, v4, vm0, $0xb8;
	[tilespmem:$0x10200] =	vst v63  }
0x64: {  	s20 =	simm.s32 $0xDA00  }
0x65: {  	[tilespmem:s20], [sflag:$0x2] =	stream.indirect_vreg.gather [hbm4b:s6+s3], $0x80, v4, vm0, $0xb8;
	[tilespmem:$0x10200] =	vst v63  }
0x66: {  	s20 =	simm.s32 $0xE200  }
0x67: {  	[tilespmem:s20], [sflag:$0x2] =	stream.indirect_vreg.gather [hbm4b:s2+s3], $0x80, v3, vm0, $0xb8;
	[tilespmem:$0x10200] =	vst v63  }
0x68: {  	s20 =	simm.s32 $0xEA00  }
0x69: {  	[tilespmem:s20], [sflag:$0x2] =	stream.indirect_vreg.gather [hbm4b:s4+s3], $0x80, v3, vm0, $0xb8;
	[tilespmem:$0x10200] =	vst v63  }
0x6a: {  	s20 =	simm.s32 $0xF200  }
0x6b: {  	[tilespmem:s20], [sflag:$0x2] =	stream.indirect_vreg.gather [hbm4b:s5+s3], $0x80, v3, vm0, $0xb8;
	[tilespmem:$0x10200] =	vst v63  }
0x6c: {  	s20 =	simm.s32 $0xFA00  }
0x6d: {  	[tilespmem:s20], [sflag:$0x2] =	stream.indirect_vreg.gather [hbm4b:s6+s3], $0x80, v3, vm0, $0xb8;
	[tilespmem:$0x10200] =	vst v63  }
0x6e: {  	_ =	swait.ge [sflag:s9], $0x8000  }
0x6f: {  	[sflag:s9] =	ssyncset.done $0x0  }
0x70: {  	s20 =	rddreg [dreg:$0x5];
	[sflag:s9] =	ssyncadd.s32 $0xFFFF8000  }
0x71: {  	[hbm4b:s20+s3] =	stream.linear.scatter [tilespmem:s25], [sflag:$0x3], $0x8000, $0x38;
	[tilespmem:$0x10200] =	vst v63  }
0x72: {  	_ =	swait.ge [sflag:s8], $0x8000  }
0x73: {  	[sflag:s8] =	ssyncset.done $0x0  }
0x74: {  	[sflag:s8] =	ssyncadd.s32 $0xFFFF8000  }
0x75: {  	v3 =	vld [tilespmem:$0x100];
	_ =	sdelay $0x4  }
0x76: {  	v60 =	vshll.u32 v3, $0x3  }
0x77: {  	v3 =	vand.u32 $0x7, v3;
	v4 =	vand.u32 $0xFFFFFFC0, v60  }
0x78: {  	v3 =	vor.u32 v3, v4  }
0x79: {  	v4 =	vperm.xlane v3, v0;
	_ =	sdelay $0x1  }
0x7a: {  	v4 =	vadd.s32 v1, v4;
	_ =	sdelay $0x4  }
0x7b: {  	[tilespmem:s25], [sflag:$0x1] =	stream.indirect_vreg.gather [hbm4b:s2+s3], $0x80, v4, vm0, $0xb8;
	[tilespmem:$0x10200] =	vst v63  }
0x7c: {  	v3 =	vperm.xlane v3, v2  }
0x7d: {  	[tilespmem:s21], [sflag:$0x1] =	stream.indirect_vreg.gather [hbm4b:s4+s3], $0x80, v4, vm0, $0xb8;
	[tilespmem:$0x10200] =	vst v63  }
0x7e: {  	v3 =	vadd.s32 v1, v3  }
0x7f: {  	[tilespmem:s22], [sflag:$0x1] =	stream.indirect_vreg.gather [hbm4b:s5+s3], $0x80, v4, vm0, $0xb8;
	[tilespmem:$0x10200] =	vst v63  }
0x80: {  	_ = 	snop  }
0x81: {  	[tilespmem:s23], [sflag:$0x1] =	stream.indirect_vreg.gather [hbm4b:s6+s3], $0x80, v4, vm0, $0xb8;
	[tilespmem:$0x10200] =	vst v63  }
0x82: {  	_ = 	snop  }
0x83: {  	[tilespmem:s24], [sflag:$0x1] =	stream.indirect_vreg.gather [hbm4b:s2+s3], $0x80, v3, vm0, $0xb8;
	[tilespmem:$0x10200] =	vst v63  }
0x84: {  	_ = 	snop  }
0x85: {  	[tilespmem:s26], [sflag:$0x1] =	stream.indirect_vreg.gather [hbm4b:s4+s3], $0x80, v3, vm0, $0xb8;
	[tilespmem:$0x10200] =	vst v63  }
0x86: {  	_ = 	snop  }
0x87: {  	[tilespmem:s28], [sflag:$0x1] =	stream.indirect_vreg.gather [hbm4b:s5+s3], $0x80, v3, vm0, $0xb8;
	[tilespmem:$0x10200] =	vst v63  }
0x88: {  	_ = 	snop  }
0x89: {  	[tilespmem:s29], [sflag:$0x1] =	stream.indirect_vreg.gather [hbm4b:s6+s3], $0x80, v3, vm0, $0xb8;
	[tilespmem:$0x10200] =	vst v63  }
0x8a: {  	v3 =	vld [tilespmem:$0x110];
	_ =	sdelay $0x4  }
0x8b: {  	v61 =	vshll.u32 v3, $0x3  }
0x8c: {  	v3 =	vand.u32 $0x7, v3;
	v4 =	vand.u32 $0xFFFFFFC0, v61  }
0x8d: {  	v3 =	vor.u32 v3, v4  }
0x8e: {  	v4 =	vperm.xlane v3, v0;
	_ =	sdelay $0x1  }
0x8f: {  	v4 =	vadd.s32 v1, v4;
	_ =	sdelay $0x4  }
0x90: {  	[tilespmem:s30], [sflag:$0x1] =	stream.indirect_vreg.gather [hbm4b:s2+s3], $0x80, v4, vm0, $0xb8;
	[tilespmem:$0x10200] =	vst v63  }
0x91: {  	v3 =	vperm.xlane v3, v2  }
0x92: {  	[tilespmem:s31], [sflag:$0x1] =	stream.indirect_vreg.gather [hbm4b:s4+s3], $0x80, v4, vm0, $0xb8;
	[tilespmem:$0x10200] =	vst v63  }
0x93: {  	v3 =	vadd.s32 v1, v3  }
0x94: {  	[tilespmem:s1], [sflag:$0x1] =	stream.indirect_vreg.gather [hbm4b:s5+s3], $0x80, v4, vm0, $0xb8;
	[tilespmem:$0x10200] =	vst v63  }
0x95: {  	_ = 	snop  }
0x96: {  	[tilespmem:s0], [sflag:$0x1] =	stream.indirect_vreg.gather [hbm4b:s6+s3], $0x80, v4, vm0, $0xb8;
	[tilespmem:$0x10200] =	vst v63  }
0x97: {  	_ = 	snop  }
0x98: {  	[tilespmem:s10], [sflag:$0x1] =	stream.indirect_vreg.gather [hbm4b:s2+s3], $0x80, v3, vm0, $0xb8;
	[tilespmem:$0x10200] =	vst v63  }
0x99: {  	_ = 	snop  }
0x9a: {  	[tilespmem:s11], [sflag:$0x1] =	stream.indirect_vreg.gather [hbm4b:s4+s3], $0x80, v3, vm0, $0xb8;
	[tilespmem:$0x10200] =	vst v63  }
0x9b: {  	_ = 	snop  }
0x9c: {  	[tilespmem:s12], [sflag:$0x1] =	stream.indirect_vreg.gather [hbm4b:s5+s3], $0x80, v3, vm0, $0xb8;
	[tilespmem:$0x10200] =	vst v63  }
0x9d: {  	_ = 	snop  }
0x9e: {  	[tilespmem:s13], [sflag:$0x1] =	stream.indirect_vreg.gather [hbm4b:s6+s3], $0x80, v3, vm0, $0xb8;
	[tilespmem:$0x10200] =	vst v63  }
0x9f: {  	_ =	swait.ge [sflag:s19], $0x8000  }
0xa0: {  	[sflag:s19] =	ssyncset.done $0x0  }
0xa1: {  	s0 =	rddreg [dreg:$0x6];
	[sflag:s19] =	ssyncadd.s32 $0xFFFF8000  }
0xa2: {  	[hbm4b:s0+s3] =	stream.linear.scatter [tilespmem:s18], [sflag:$0x3], $0x8000, $0x38;
	[tilespmem:$0x10200] =	vst v63  }
0xa3: {  	_ =	swait.ge [sflag:s8], $0x8000  }
0xa4: {  	[sflag:s8] =	ssyncset.done $0x0  }
0xa5: {  	[sflag:s8] =	ssyncadd.s32 $0xFFFF8000  }
0xa6: {  	v3 =	vld [tilespmem:$0x180];
	_ =	sdelay $0x4  }
0xa7: {  	v62 =	vshll.u32 v3, $0x3  }
0xa8: {  	v3 =	vand.u32 $0x7, v3;
	v4 =	vand.u32 $0xFFFFFFC0, v62  }
0xa9: {  	v3 =	vor.u32 v3, v4  }
0xaa: {  	v4 =	vperm.xlane v3, v0;
	_ =	sdelay $0x1  }
0xab: {  	v4 =	vadd.s32 v1, v4;
	_ =	sdelay $0x4  }
0xac: {  	[tilespmem:s18], [sflag:$0x2] =	stream.indirect_vreg.gather [hbm4b:s2+s3], $0x80, v4, vm0, $0xb8;
	[tilespmem:$0x10200] =	vst v63  }
0xad: {  	v3 =	vperm.xlane v3, v2  }
0xae: {  	[tilespmem:s14], [sflag:$0x2] =	stream.indirect_vreg.gather [hbm4b:s4+s3], $0x80, v4, vm0, $0xb8;
	[tilespmem:$0x10200] =	vst v63  }
0xaf: {  	v3 =	vadd.s32 v1, v3  }
0xb0: {  	[tilespmem:s15], [sflag:$0x2] =	stream.indirect_vreg.gather [hbm4b:s5+s3], $0x80, v4, vm0, $0xb8;
	[tilespmem:$0x10200] =	vst v63  }
0xb1: {  	_ = 	snop  }
0xb2: {  	[tilespmem:s16], [sflag:$0x2] =	stream.indirect_vreg.gather [hbm4b:s6+s3], $0x80, v4, vm0, $0xb8;
	[tilespmem:$0x10200] =	vst v63  }
0xb3: {  	_ = 	snop  }
0xb4: {  	[tilespmem:s17], [sflag:$0x2] =	stream.indirect_vreg.gather [hbm4b:s2+s3], $0x80, v3, vm0, $0xb8;
	[tilespmem:$0x10200] =	vst v63  }
0xb5: {  	s20 =	simm.s32 $0xAA00  }
0xb6: {  	[tilespmem:s20], [sflag:$0x2] =	stream.indirect_vreg.gather [hbm4b:s4+s3], $0x80, v3, vm0, $0xb8;
	[tilespmem:$0x10200] =	vst v63  }
0xb7: {  	s20 =	simm.s32 $0xB200  }
0xb8: {  	[tilespmem:s20], [sflag:$0x2] =	stream.indirect_vreg.gather [hbm4b:s5+s3], $0x80, v3, vm0, $0xb8;
	[tilespmem:$0x10200] =	vst v63  }
0xb9: {  	s20 =	simm.s32 $0xBA00  }
0xba: {  	[tilespmem:s20], [sflag:$0x2] =	stream.indirect_vreg.gather [hbm4b:s6+s3], $0x80, v3, vm0, $0xb8;
	[tilespmem:$0x10200] =	vst v63  }
0xbb: {  	v3 =	vld [tilespmem:$0x190];
	_ =	sdelay $0x4  }
0xbc: {  	v63 =	vshll.u32 v3, $0x3  }
0xbd: {  	v3 =	vand.u32 $0x7, v3;
	v4 =	vand.u32 $0xFFFFFFC0, v63  }
0xbe: {  	v3 =	vor.u32 v3, v4  }
0xbf: {  	v4 =	vperm.xlane v3, v0;
	_ =	sdelay $0x1  }
0xc0: {  	v4 =	vadd.s32 v1, v4;
	_ =	sdelay $0x3  }
0xc1: {  	s20 =	simm.s32 $0xC200  }
0xc2: {  	[tilespmem:s20], [sflag:$0x2] =	stream.indirect_vreg.gather [hbm4b:s2+s3], $0x80, v4, vm0, $0xb8;
	[tilespmem:$0x10200] =	vst v63  }
0xc3: {  	v3 =	vperm.xlane v3, v2;
	s20 =	simm.s32 $0xCA00  }
0xc4: {  	[tilespmem:s20], [sflag:$0x2] =	stream.indirect_vreg.gather [hbm4b:s4+s3], $0x80, v4, vm0, $0xb8;
	[tilespmem:$0x10200] =	vst v63  }
0xc5: {  	v3 =	vadd.s32 v1, v3;
	s20 =	simm.s32 $0xD200  }
0xc6: {  	[tilespmem:s20], [sflag:$0x2] =	stream.indirect_vreg.gather [hbm4b:s5+s3], $0x80, v4, vm0, $0xb8;
	[tilespmem:$0x10200] =	vst v63  }
0xc7: {  	s20 =	simm.s32 $0xDA00  }
0xc8: {  	[tilespmem:s20], [sflag:$0x2] =	stream.indirect_vreg.gather [hbm4b:s6+s3], $0x80, v4, vm0, $0xb8;
	[tilespmem:$0x10200] =	vst v63  }
0xc9: {  	s20 =	simm.s32 $0xE200  }
0xca: {  	[tilespmem:s20], [sflag:$0x2] =	stream.indirect_vreg.gather [hbm4b:s2+s3], $0x80, v3, vm0, $0xb8;
	[tilespmem:$0x10200] =	vst v63  }
0xcb: {  	s20 =	simm.s32 $0xEA00  }
0xcc: {  	[tilespmem:s20], [sflag:$0x2] =	stream.indirect_vreg.gather [hbm4b:s4+s3], $0x80, v3, vm0, $0xb8;
	[tilespmem:$0x10200] =	vst v63  }
0xcd: {  	s20 =	simm.s32 $0xF200  }
0xce: {  	[tilespmem:s20], [sflag:$0x2] =	stream.indirect_vreg.gather [hbm4b:s5+s3], $0x80, v3, vm0, $0xb8;
	[tilespmem:$0x10200] =	vst v63  }
0xcf: {  	s20 =	simm.s32 $0xFA00  }
0xd0: {  	[tilespmem:s20], [sflag:$0x2] =	stream.indirect_vreg.gather [hbm4b:s6+s3], $0x80, v3, vm0, $0xb8;
	[tilespmem:$0x10200] =	vst v63  }
0xd1: {  	_ =	swait.ge [sflag:s9], $0x8000  }
0xd2: {  	[sflag:s9] =	ssyncset.done $0x0  }
0xd3: {  	s0 =	rddreg [dreg:$0x7];
	[sflag:s9] =	ssyncadd.s32 $0xFFFF8000  }
0xd4: {  	[hbm4b:s0+s3] =	stream.linear.scatter [tilespmem:s25], [sflag:$0x3], $0x8000, $0x38;
	[tilespmem:$0x10200] =	vst v63  }
0xd5: {  	_ =	swait.ge [sflag:s8], $0x8000  }
0xd6: {  	[sflag:s8] =	ssyncset.done $0x0  }
0xd7: {  	[sflag:s8] =	ssyncadd.s32 $0xFFFF8000  }
0xd8: {  	_ =	swait.ge [sflag:s19], $0x8000  }
0xd9: {  	p0 =	sne.s32 s7, $0x1;
	[sflag:s19] =	ssyncset.done $0x0  }
.Ltmp0:
0xda: {  	s0 =	rddreg [dreg:$0x8];
	[sflag:s19] =	ssyncadd.s32 $0xFFFF8000;
	(pc) =	sbr.rel @p0 .LBB2_1-.Ltmp0, $4  }
0xdb: {  	[hbm4b:s0+s3] =	stream.linear.scatter [tilespmem:s18], [sflag:$0x3], $0x8000, $0x38;
	[tilespmem:$0x10200] =	vst v63  }
0xdc: {  	_ =	swait.ge [sflag:s8], $0x8000  }
0xdd: {  	[sflag:s8] =	ssyncset.done $0x0  }
0xde: {  	s7 =	sadd.s32 $0xFFFFFFFF, s7;
	[sflag:s8] =	ssyncadd.s32 $0xFFFF8000  }
0xdf: {  	_ =	sfence.sel $0x180000  }
0xe0: {  	[bflag:$0x0] =	sbarrier.arrive $0xFFFF  }
0xe1: {  	_ =	strace $0x90000047  }
0xe2: {  	s0 =	stileid.u32;
	[bflag:$0x2] =	sbarrier.arrive $0xFFFF  }
0xe3: {  	p0 =	sne.s32 s0, $0x0;
	s0 =	rddreg [dreg:$0x3]  }
0xe4: {  	s0 =	sadd.s32 @!p0 $0x100000, s0  }
0xe5: {  	[sflag:s0] =	ssyncadd.tile.s32 @!p0 $0x1;
	_ =	shalt  }
.Lfunc_end2:
_tile_overlayer_lowered:
.L_overlay_start_2:
0xe6: {  	(tag) =	ssettag $0x2  }
0xe7: {  	s0 =	rddreg [dreg:$0x0];
	s2 =	stileid.u32  }
0xe8: {  	s1 =	rddreg [dreg:$0x1];
	p0 =	sne.s32 s2, $0x0  }
0xe9: {  	s3 =	rddreg [dreg:$0x2];
	[bflag:$0x3] =	sbarrier.arrive $0xFFFF;
	s2 =	simm.s32 @!p0 $0x1C03  }
0xea: {  	[timem:s3], [sflag:s2] =	dma.local @!p0 [hbm:s0], s1  }
0xeb: {  	s0 =	simm.s32 @!p0 $0x3  }
0xec: {  	_ =	swait.ge @!p0 [sflag:s0], s1  }
0xed: {  	s1 =	ssub.s32 @!p0 $0x0, s1;
	[sflag:s0] =	ssyncset.done @!p0 $0x0  }
0xee: {  	[sflag:s0] =	ssyncadd.s32 @!p0 s1  }
0xef: {  	[bflag:$0x3] =	sbarrier.arrive $0xFFFF  }
0xf0: {  	_ =	shalt  }

// kernel: kernel.9.cloned.1.call-start
scs
__scs_entry_jumppad:
0x0: {  	(pc) =	sbr.rel $0x88, $3  }
0x1: {  	(tag) =	ssettag $0x0;
	lr =	simm.s32 $0x1  }
0x2: {  	[smem:$0x3F9C] =	sst lr;
	_ =	strace $0xD0000000  }
0x3: {  	_ = 	snop  }
0x4: {  	_ = 	snop  }
0x5: {  	_ = 	snop  }
0x6: {  	_ = 	snop  }
0x7: {  	_ = 	snop  }
__scs_overlays_trampoline_lowered:
0x8: {  	[smem:$0x3FAB] =	sst s0  }
0x9: {  	[smem:$0x3FAC] =	sst s1  }
0xa: {  	[smem:$0x3FAD] =	sst s2  }
0xb: {  	[smem:$0x3FAE] =	sst s3  }
0xc: {  	[smem:$0x3FAF] =	sst s4  }
0xd: {  	[smem:$0x3FB0] =	sst s5  }
0xe: {  	[smem:$0x3FB1] =	sst s6  }
0xf: {  	[smem:$0x3FB2] =	sst s7  }
0x10: {  	[smem:$0x3FB3] =	sst s8  }
0x11: {  	[smem:$0x3FB4] =	sst s9;
	s0 =	simm.s32 @!p0 $0x0  }
0x12: {  	s1 =	sld [smem:$0x3F9A];
	s0 =	simm.s32 @p0 $0x1  }
0x13: {  	[smem:$0x3FB5] =	sst s0;
	s0 =	simm.s32 @!p1 $0x0  }
0x14: {  	s2 =	sld [smem:$0x3F99];
	s0 =	simm.s32 @p1 $0x1  }
0x15: {  	[smem:$0x3FB6] =	sst s0;
	s0 =	simm.s32 @!p2 $0x0  }
0x16: {  	s3 =	sld [smem:$0x3FDB];
	s0 =	simm.s32 @p2 $0x1  }
0x17: {  	s4 =	simm.s32 $0x1BF5;
	[smem:$0x3FB8] =	sst s0  }
0x18: {  	s0 =	sld [smem:$0x3F9B];
	_ =	swait.ge [sflag:s4], $0x0  }
0x19: {  	s7 =	sld [smem:$0x3F9C]  }
0x1a: {  	s8 =	sadd.s32 $0xFFFFE003, lr  }
0x1b: {  	s9 =	sadd.s32 $0xFFFFFEF7, lr;
	s5 =	simm.s32 $0xFFFFFFFF;
	p2 =	slt.u32 s8, $0xFFFFF086  }
0x1c: {  	p1 =	slt.u32 s9, $0xF7A;
	s5 =	simm.s32 @!p2 $0x0  }
0x1d: {  	s5 =	simm.s32 @p1 $0x1;
	p0 =	seq.s32 s7, s2  }
0x1e: {  	s7 =	smul.u32 @!p0 $0xF7A, s2;
	p2 =	seq.s32 @!p0 s5, $0x0  }
0x1f: {  	s9 =	smul.u32 $0xF7A, s1;
	s8 =	simm.s32 @!p0 $0x1BF5;
	p2 =	por !p2, p0  }
0x20: {  	[sflag:s8] =	ssyncset.s32 @!p0 $0xFFFFF086;
	s6 =	sadd.s32 @!p0 s3, s7;
	s7 =	simm.s32 @!p0 $0x108  }
0x21: {  	s3 =	sadd.s32 s3, s9;
	s6 =	sadd.s32 @!p0 $0x88, s6;
	s7 =	simm.s32 @p2 $0x1082  }
0x22: {  	[simem:s7], [sflag:s8] =	dma.local @!p0 [hbm:s6], $0xF7A  }
0x23: {  	s9 =	sor.u32 $0xD0000000, s2;
	s6 =	simm.s32 $0x108;
	_ =	swait.ge @!p0 [sflag:s8], $0x0  }
0x24: {  	s3 =	sadd.s32 $0x88, s3;
	s6 =	simm.s32 @!p1 $0x1082;
	[sflag:s4] =	ssyncset.s32 $0xFFFFF086  }
0x25: {  	[simem:s6], [sflag:s4] =	dma.local [hbm:s3], $0xF7A  }
0x26: {  	[smem:$0x3F9C] =	sst s1;
	(tag) =	ssettag s2;
	_ =	strace s9  }
0x27: {  	s1 =	sld [smem:$0x3FAC]  }
0x28: {  	s2 =	sld [smem:$0x3FAD]  }
0x29: {  	s4 =	sld [smem:$0x3FAF]  }
0x2a: {  	p0 =	seq.s32 s5, $0x0;
	s5 =	sld [smem:$0x3FB0]  }
0x2b: {  	s6 =	sld [smem:$0x3FB1]  }
0x2c: {  	s7 =	sld [smem:$0x3FB2]  }
0x2d: {  	s3 =	simm.s32 $0x108;
	s8 =	sld [smem:$0x3FB3]  }
0x2e: {  	s3 =	simm.s32 @!p0 $0x1082;
	s9 =	sld [smem:$0x3FB4]  }
0x2f: {  	lr =	sadd.s32 s0, s3;
	s0 =	sld [smem:$0x3FAB]  }
0x30: {  	s3 =	sld [smem:$0x3FAE]  }
0x31: {  	[smem:$0x3FB7] =	sst s10  }
0x32: {  	s10 =	sld [smem:$0x3FB5];
	_ =	sdelay $0x3  }
0x33: {  	p0 =	seq.s32 s10, $0x1;
	s10 =	sld [smem:$0x3FB7];
	_ =	sdelay $0x3  }
0x34: {  	[smem:$0x3FB7] =	sst s10  }
0x35: {  	s10 =	sld [smem:$0x3FB6];
	_ =	sdelay $0x3  }
0x36: {  	p1 =	seq.s32 s10, $0x1;
	s10 =	sld [smem:$0x3FB7];
	_ =	sdelay $0x3  }
0x37: {  	[smem:$0x3FB7] =	sst s10  }
0x38: {  	s10 =	sld [smem:$0x3FB8]  }
0x39: {  	_ = 	snop;
	(pc) =	sbr.ind lr, $3  }
0x3a: {  	_ = 	snop  }
0x3b: {  	_ = 	snop  }
0x3c: {  	p2 =	seq.s32 s10, $0x1;
	s10 =	sld [smem:$0x3FB7]  }
0x3d: {  	_ =	shalt  }
0x3e: {  	_ =	shalt  }
0x3f: {  	_ =	shalt  }
0x40: {  	_ =	shalt  }
0x41: {  	_ =	shalt  }
0x42: {  	_ =	shalt  }
0x43: {  	_ =	shalt  }
0x44: {  	_ =	shalt  }
0x45: {  	_ =	shalt  }
0x46: {  	_ =	shalt  }
0x47: {  	_ =	shalt  }
0x48: {  	_ =	shalt  }
0x49: {  	_ =	shalt  }
0x4a: {  	_ =	shalt  }
0x4b: {  	_ =	shalt  }
0x4c: {  	_ =	shalt  }
0x4d: {  	_ =	shalt  }
0x4e: {  	_ =	shalt  }
0x4f: {  	_ =	shalt  }
0x50: {  	_ =	shalt  }
0x51: {  	_ =	shalt  }
0x52: {  	_ =	shalt  }
0x53: {  	_ =	shalt  }
0x54: {  	_ =	shalt  }
0x55: {  	_ =	shalt  }
0x56: {  	_ =	shalt  }
0x57: {  	_ =	shalt  }
0x58: {  	_ =	shalt  }
0x59: {  	_ =	shalt  }
0x5a: {  	_ =	shalt  }
0x5b: {  	_ =	shalt  }
0x5c: {  	_ =	shalt  }
0x5d: {  	_ =	shalt  }
0x5e: {  	_ =	shalt  }
0x5f: {  	_ =	shalt  }
0x60: {  	_ =	shalt  }
0x61: {  	_ =	shalt  }
0x62: {  	_ =	shalt  }
0x63: {  	_ =	shalt  }
0x64: {  	_ =	shalt  }
0x65: {  	_ =	shalt  }
0x66: {  	_ =	shalt  }
0x67: {  	_ =	shalt  }
0x68: {  	_ =	shalt  }
0x69: {  	_ =	shalt  }
0x6a: {  	_ =	shalt  }
0x6b: {  	_ =	shalt  }
0x6c: {  	_ =	shalt  }
0x6d: {  	_ =	shalt  }
0x6e: {  	_ =	shalt  }
0x6f: {  	_ =	shalt  }
0x70: {  	_ =	shalt  }
0x71: {  	_ =	shalt  }
0x72: {  	_ =	shalt  }
0x73: {  	_ =	shalt  }
0x74: {  	_ =	shalt  }
0x75: {  	_ =	shalt  }
0x76: {  	_ =	shalt  }
0x77: {  	_ =	shalt  }
0x78: {  	_ =	shalt  }
0x79: {  	_ =	shalt  }
0x7a: {  	_ =	shalt  }
0x7b: {  	_ =	shalt  }
0x7c: {  	_ =	shalt  }
0x7d: {  	_ =	shalt  }
0x7e: {  	_ =	shalt  }
0x7f: {  	_ =	shalt  }
0x80: {  	_ =	shalt  }
0x81: {  	_ =	shalt  }
0x82: {  	_ =	shalt  }
0x83: {  	_ =	shalt  }
0x84: {  	_ =	shalt  }
0x85: {  	_ =	shalt  }
0x86: {  	_ =	shalt  }
0x87: {  	_ =	shalt  }
.Lfunc_end0:
.L_simem_size_0:
called_computation.1_lowered:
.L_overlay_start_0:
0x88: {  	s2 =	sld [smem:$0x3FD9]  }
0x89: {  	s3 =	sld [smem:$0x3FFE];
	_ =	sdelay $0x1  }
0x8a: {  	s1 =	srdreg.scid  }
0x8b: {  	s0 =	sand.u32 $0x1, s1  }
0x8c: {  	s17 =	sshll.u32 s0, $0xA;
	s2 =	sadd.s32 s3, s2  }
0x8d: {  	s2 =	sadd.s32 s2, s17  }
0x8e: {  	[smem:$0x3FC3] =	sst s2  }
0x8f: {  	_ = 	snop  }
0x90: {  	s18 =	sld [smem:$0x3FC8];
	(tm) =	ssettm $0x1  }
0x91: {  	s19 =	sld [smem:$0x3FFB];
	_ =	sdelay $0x3  }
0x92: {  	_ =	strace s19  }
0x93: {  	s2 =	sld [smem:$0x3FFC];
	_ =	sdelay $0x3  }
0x94: {  	_ =	strace s2  }
0x95: {  	s2 =	sld [smem:$0x3FFD];
	_ =	sdelay $0x3  }
0x96: {  	_ =	strace s2  }
0x97: {  	_ =	strace $0x8FFFFFFF  }
0x98: {  	s20 =	sld [smem:$0x3FDB];
	_ =	sdelay $0x1  }
0x99: {  	s4 =	simm.s32 $_scs_section_size  }
0x9a: {  	s5 =	simm.s32 $_size__tile_overlayer_lowered;
	s6 =	simm.s32 $_tile_overlayer_lowered  }
0x9b: {  	s7 =	simm.s32 $0x1BFF;
	s21 =	sshll.u32 s6, $0x1;
	s4 =	sadd.s32 s4, s20  }
0x9c: {  	s22 =	simm.s32 $0x0;
	s5 =	sshll.u32 s5, $0x1;
	s6 =	sadd.s32 s21, s4  }
0x9d: {  	[timem:s22], [sflag:s7] =	dma.local [hbm:s6], s5  }
0x9e: {  	_ =	swait.ge [sflag:s7], s5  }
0x9f: {  	s5 =	ssub.s32 $0x0, s5;
	[sflag:s7] =	ssyncset.done $0x0  }
0xa0: {  	[sflag:s7] =	ssyncadd.s32 s5;
	_ =	sdelay $0x1  }
0xa1: {  	s23 =	simm.s32 $0x1B8B  }
0xa2: {  	_ =	swait.ge [sflag:s23], $0x1  }
0xa3: {  	[sflag:s23] =	ssyncset.done $0x0  }
0xa4: {  	[sflag:s23] =	ssyncadd.s32 $0xFFFFFFFF  }
0xa5: {  	s5 =	sld [smem:$0x0]  }
0xa6: {  	s6 =	sand.u32 $0xFFFFFFFE, s1  }
0xa7: {  	p0 =	sne.s32 s1, s6  }
0xa8: {  	s6 =	sshll.u32 @p0 s6, $0xE  }
0xa9: {  	s6 =	sadd.s32 @p0 $0x11B8D, s6;
	s7 =	sshll.u32 @p0 s5, $0x11  }
0xaa: {  	s6 =	sor.u32 @p0 s7, s6  }
0xab: {  	[sflag:s6] =	ssyncadd.remote.s32 @p0 $0x1;
	_ =	sdelay $0x1  }
0xac: {  	s6 =	simm.s32 @p0 $0x1B8D  }
0xad: {  	_ =	swait.eq @p0 [sflag:s6], $0x1  }
0xae: {  	[sflag:s6] =	ssyncadd.s32 @p0 $0xFFFFFFFF  }
0xaf: {  	s7 =	sshll.u32 @!p0 s1, $0xE  }
0xb0: {  	s7 =	sor.u32 @!p0 $0x4000, s7;
	s6 =	simm.s32 @!p0 $0x1B8D  }
0xb1: {  	s5 =	sshll.u32 @!p0 s5, $0x11;
	s7 =	sadd.s32 @!p0 $0x11B8D, s7;
	_ =	swait.eq @!p0 [sflag:s6], $0x1  }
0xb2: {  	s5 =	sor.u32 @!p0 s5, s7;
	[sflag:s6] =	ssyncadd.s32 @!p0 $0xFFFFFFFF  }
0xb3: {  	s25 =	simm.s32 $0x1B8E;
	s24 =	sld [smem:$0x3FFE];
	[sflag:s5] =	ssyncadd.remote.s32 @!p0 $0x1  }
0xb4: {  	s26 =	simm.s32 $execute0_lowered;
	[smem:$0x3FD2] =	sst s25  }
0xb5: {  	s6 =	sshll.u32 s26, $0x1;
	_ =	strace $0x80000049;
	[dreg:$0x1] =	wrdreg $0xFFFFFFFF  }
0xb6: {  	s28 =	simm.s32 $_size_execute0_lowered;
	s4 =	sadd.s32 s4, s6;
	[dreg:$0x0] =	wrdreg $0x0  }
0xb7: {  	s6 =	sshll.u32 s28, $0x1;
	[dreg:$0x2] =	wrdreg s4  }
0xb8: {  	[dreg:$0x3] =	wrdreg s6  }
0xb9: {  	[dreg:$0x4] =	wrdreg $0xC0  }
0xba: {  	_ =	task [dreg:s22], $0x5FFFF  }
0xbb: {  	[dreg:$0x1] =	wrdreg $0xFFFFFFFF  }
0xbc: {  	[dreg:$0x0] =	wrdreg $0x60  }
0xbd: {  	[dreg:$0x2] =	wrdreg s24  }
0xbe: {  	[dreg:$0x3] =	wrdreg s18  }
0xbf: {  	[dreg:$0x4] =	wrdreg $0xA  }
0xc0: {  	_ =	task.clear_ibuf [dreg:s22], $0x5FFFF;
	_ =	strace $0x90000049  }
0xc1: {  	s29 =	simm.s32 $0xA;
	_ =	strace $0x8000004B  }
0xc2: {  	_ =	swait.ge [sflag:s29], $0x1  }
0xc3: {  	[sflag:s29] =	ssyncadd.s32 $0xFFFFFFFF  }
0xc4: {  	_ =	strace $0x9000004B  }
0xc5: {  	_ =	sfence  }
0xc6: {  	s30 =	sld [smem:$0x0];
	_ =	sdelay $0x2  }
0xc7: {  	s31 =	sshll.u32 s1, $0xD;
	s1 =	sshrl.u32 s1, $0x2  }
0xc8: {  	s4 =	sand.u32 $0x4000, s31;
	s1 =	sadd.s32 s1, s30  }
0xc9: {  	s0 =	sor.u32 s4, s0;
	s1 =	sshll.u32 s1, $0x11  }
0xca: {  	s0 =	sor.u32 s1, s0  }
0xcb: {  	s0 =	sadd.s32 $0x8F2B, s0  }
0xcc: {  	[sflag:s0] =	ssyncadd.remote.s32 $0x1  }
0xcd: {  	_ =	sfence.sel $0xFFFF  }
0xce: {  	[dreg:$0x0] =	wrdreg $0xFFFFFFFF;
	(pc) =	sbr.abs _section_cstart, $3  }
0xcf: {  	[dreg:$0x1] =	wrdreg $0xFFFFFFFF  }
0xd0: {  	_ =	task.clear_ibuf [dreg:s22], $0x2FFFF;
	_ =	strace $0x9FFFFFFF  }
0xd1: {  	(tm) =	ssettm $0x7FFFFFFF  }
tec
execute0_lowered:
.L_overlay_start_1:
0x0: {  	(tag) =	ssettag $0x1  }
0x1: {  	s0 =	srdreg.scid  }
0x2: {  	s2 =	stileid.u32;
	s1 =	rddreg [dreg:$0x0]  }
0x3: {  	s8 =	simm.s32 $0x3;
	s9 =	simm.s32 $0x1;
	s19 =	simm.s32 $0x2  }
0x4: {  	s21 =	simm.s32 $0xA00;
	s28 =	simm.s32 $0x3200;
	s29 =	simm.s32 $0x3A00  }
0x5: {  	s30 =	simm.s32 $0x4200;
	s31 =	simm.s32 $0x4A00;
	s10 =	simm.s32 $0x6200  }
0x6: {  	s11 =	simm.s32 $0x6A00;
	s12 =	simm.s32 $0x7200;
	s13 =	simm.s32 $0x7A00  }
0x7: {  	s18 =	simm.s32 $0x8200;
	s14 =	simm.s32 $0x8A00;
	s15 =	simm.s32 $0x9200  }
0x8: {  	s16 =	simm.s32 $0x9A00;
	s0 =	sand.u32 $0x1, s0;
	s3 =	sshll.u32 s2, $0x1  }
0x9: {  	s17 =	simm.s32 $0xA200;
	s2 =	rddreg [dreg:$0x1];
	s4 =	sor.u32 s0, s3  }
0xa: {  	s3 =	simm.s32 $0x0;
	s0 =	ssub.s32 $0x2, s0;
	s6 =	sadd.s32 $0x300, s2  }
0xb: {  	s5 =	sshll.u32 s4, $0x6;
	[smem:$0x7FF] =	sst s3;
	s4 =	sshll.u32 s4, $0xE  }
0xc: {  	s24 =	sshrl.u32 s0, $0x1;
	s5 =	sadd.s32 s5, s1;
	_ =	strace $0x8000004A  }
0xd: {  	s1 =	sadd.s32 s4, s1;
	s0 =	ssub.s32 s0, s24;
	s22 =	sadd.s32 $0x81000, s5  }
0xe: {  	s4 =	sadd.s32 $0x100, s2;
	s23 =	sadd.s32 $0x81800, s1;
	[dreg:$0x3] =	wrdreg s22  }
0xf: {  	s24 =	simm.s32 $0x2200;
	s25 =	sadd.s32 $0x82800, s1;
	[dreg:$0x4] =	wrdreg s23  }
0x10: {  	s26 =	sadd.s32 $0x83800, s1;
	s1 =	sadd.s32 $0x84800, s1;
	[dreg:$0x5] =	wrdreg s25  }
0x11: {  	v2 =	vlaneseq.u32;
	s5 =	sadd.s32 $0x200, s2;
	s7 =	smax.u32 s0, $0x1;
	[dreg:$0x6] =	wrdreg s26  }
0x12: {  	vm0 =	vmmov $0xffff;
	v1 =	vshrl.u32 v2, $0x3;
	[dreg:$0x7] =	wrdreg s1;
	s25 =	simm.s32 $0x200;
	s22 =	simm.s32 $0x1200  }
0x13: {  	v0 =	vand.u32 $0x7, v2;
	v2 =	vor.u32 $0x8, v2;
	v1 =	vmul.u32 $0x8, v1;
	s23 =	simm.s32 $0x1A00;
	s26 =	simm.s32 $0x2A00;
	s1 =	simm.s32 $0x5200  }
.LBB2_1:
0x14: {  	s20 =	rddreg [dreg:$0x3]  }
0x15: {  	[tilespmem:s3], [sflag:$0x3] =	stream.linear.gather [hbm4b:s20+s3], $0x200, $0x38;
	[tilespmem:$0x10200] =	vst v63  }
0x16: {  	_ =	swait.ge [sflag:s8], $0x200  }
0x17: {  	[sflag:s8] =	ssyncset.done $0x0  }
0x18: {  	[sflag:s8] =	ssyncadd.s32 $0xFFFFFE00  }
0x19: {  	v3 =	vld [tilespmem:$0x0];
	_ =	sdelay $0x4  }
0x1a: {  	v4 =	vshll.u32 v3, $0x3  }
0x1b: {  	v3 =	vand.u32 $0x7, v3;
	v4 =	vand.u32 $0xFFFFFFC0, v4  }
0x1c: {  	v3 =	vor.u32 v3, v4  }
0x1d: {  	v4 =	vperm.xlane v3, v0;
	_ =	sdelay $0x1  }
0x1e: {  	v4 =	vadd.s32 v1, v4;
	_ =	sdelay $0x4  }
0x1f: {  	[tilespmem:s25], [sflag:$0x1] =	stream.indirect_vreg.gather [hbm4b:s2+s3], $0x80, v4, vm0, $0xb8;
	[tilespmem:$0x10200] =	vst v63  }
0x20: {  	v3 =	vperm.xlane v3, v2  }
0x21: {  	[tilespmem:s21], [sflag:$0x1] =	stream.indirect_vreg.gather [hbm4b:s4+s3], $0x80, v4, vm0, $0xb8;
	[tilespmem:$0x10200] =	vst v63  }
0x22: {  	v3 =	vadd.s32 v1, v3  }
0x23: {  	[tilespmem:s22], [sflag:$0x1] =	stream.indirect_vreg.gather [hbm4b:s5+s3], $0x80, v4, vm0, $0xb8;
	[tilespmem:$0x10200] =	vst v63  }
0x24: {  	_ = 	snop  }
0x25: {  	[tilespmem:s23], [sflag:$0x1] =	stream.indirect_vreg.gather [hbm4b:s6+s3], $0x80, v4, vm0, $0xb8;
	[tilespmem:$0x10200] =	vst v63  }
0x26: {  	_ = 	snop  }
0x27: {  	[tilespmem:s24], [sflag:$0x1] =	stream.indirect_vreg.gather [hbm4b:s2+s3], $0x80, v3, vm0, $0xb8;
	[tilespmem:$0x10200] =	vst v63  }
0x28: {  	_ = 	snop  }
0x29: {  	[tilespmem:s26], [sflag:$0x1] =	stream.indirect_vreg.gather [hbm4b:s4+s3], $0x80, v3, vm0, $0xb8;
	[tilespmem:$0x10200] =	vst v63  }
0x2a: {  	_ = 	snop  }
0x2b: {  	[tilespmem:s28], [sflag:$0x1] =	stream.indirect_vreg.gather [hbm4b:s5+s3], $0x80, v3, vm0, $0xb8;
	[tilespmem:$0x10200] =	vst v63  }
0x2c: {  	_ = 	snop  }
0x2d: {  	[tilespmem:s29], [sflag:$0x1] =	stream.indirect_vreg.gather [hbm4b:s6+s3], $0x80, v3, vm0, $0xb8;
	[tilespmem:$0x10200] =	vst v63  }
0x2e: {  	v3 =	vld [tilespmem:$0x10];
	_ =	sdelay $0x4  }
0x2f: {  	v57 =	vshll.u32 v3, $0x3  }
0x30: {  	v3 =	vand.u32 $0x7, v3;
	v4 =	vand.u32 $0xFFFFFFC0, v57  }
0x31: {  	v3 =	vor.u32 v3, v4  }
0x32: {  	v4 =	vperm.xlane v3, v0;
	_ =	sdelay $0x1  }
0x33: {  	v4 =	vadd.s32 v1, v4;
	_ =	sdelay $0x4  }
0x34: {  	[tilespmem:s30], [sflag:$0x1] =	stream.indirect_vreg.gather [hbm4b:s2+s3], $0x80, v4, vm0, $0xb8;
	[tilespmem:$0x10200] =	vst v63  }
0x35: {  	v3 =	vperm.xlane v3, v2  }
0x36: {  	[tilespmem:s31], [sflag:$0x1] =	stream.indirect_vreg.gather [hbm4b:s4+s3], $0x80, v4, vm0, $0xb8;
	[tilespmem:$0x10200] =	vst v63  }
0x37: {  	v3 =	vadd.s32 v1, v3  }
0x38: {  	[tilespmem:s1], [sflag:$0x1] =	stream.indirect_vreg.gather [hbm4b:s5+s3], $0x80, v4, vm0, $0xb8;
	[tilespmem:$0x10200] =	vst v63  }
0x39: {  	s0 =	simm.s32 $0x5A00  }
0x3a: {  	[tilespmem:s0], [sflag:$0x1] =	stream.indirect_vreg.gather [hbm4b:s6+s3], $0x80, v4, vm0, $0xb8;
	[tilespmem:$0x10200] =	vst v63  }
0x3b: {  	_ = 	snop  }
0x3c: {  	[tilespmem:s10], [sflag:$0x1] =	stream.indirect_vreg.gather [hbm4b:s2+s3], $0x80, v3, vm0, $0xb8;
	[tilespmem:$0x10200] =	vst v63  }
0x3d: {  	_ = 	snop  }
0x3e: {  	[tilespmem:s11], [sflag:$0x1] =	stream.indirect_vreg.gather [hbm4b:s4+s3], $0x80, v3, vm0, $0xb8;
	[tilespmem:$0x10200] =	vst v63  }
0x3f: {  	_ = 	snop  }
0x40: {  	[tilespmem:s12], [sflag:$0x1] =	stream.indirect_vreg.gather [hbm4b:s5+s3], $0x80, v3, vm0, $0xb8;
	[tilespmem:$0x10200] =	vst v63  }
0x41: {  	_ = 	snop  }
0x42: {  	[tilespmem:s13], [sflag:$0x1] =	stream.indirect_vreg.gather [hbm4b:s6+s3], $0x80, v3, vm0, $0xb8;
	[tilespmem:$0x10200] =	vst v63  }
0x43: {  	v3 =	vld [tilespmem:$0x80];
	_ =	sdelay $0x4  }
0x44: {  	v58 =	vshll.u32 v3, $0x3  }
0x45: {  	v3 =	vand.u32 $0x7, v3;
	v4 =	vand.u32 $0xFFFFFFC0, v58  }
0x46: {  	v3 =	vor.u32 v3, v4  }
0x47: {  	v4 =	vperm.xlane v3, v0;
	_ =	sdelay $0x1  }
0x48: {  	v4 =	vadd.s32 v1, v4;
	_ =	sdelay $0x4  }
0x49: {  	[tilespmem:s18], [sflag:$0x2] =	stream.indirect_vreg.gather [hbm4b:s2+s3], $0x80, v4, vm0, $0xb8;
	[tilespmem:$0x10200] =	vst v63  }
0x4a: {  	v3 =	vperm.xlane v3, v2  }
0x4b: {  	[tilespmem:s14], [sflag:$0x2] =	stream.indirect_vreg.gather [hbm4b:s4+s3], $0x80, v4, vm0, $0xb8;
	[tilespmem:$0x10200] =	vst v63  }
0x4c: {  	v3 =	vadd.s32 v1, v3  }
0x4d: {  	[tilespmem:s15], [sflag:$0x2] =	stream.indirect_vreg.gather [hbm4b:s5+s3], $0x80, v4, vm0, $0xb8;
	[tilespmem:$0x10200] =	vst v63  }
0x4e: {  	_ = 	snop  }
0x4f: {  	[tilespmem:s16], [sflag:$0x2] =	stream.indirect_vreg.gather [hbm4b:s6+s3], $0x80, v4, vm0, $0xb8;
	[tilespmem:$0x10200] =	vst v63  }
0x50: {  	_ = 	snop  }
0x51: {  	[tilespmem:s17], [sflag:$0x2] =	stream.indirect_vreg.gather [hbm4b:s2+s3], $0x80, v3, vm0, $0xb8;
	[tilespmem:$0x10200] =	vst v63  }
0x52: {  	s20 =	simm.s32 $0xAA00  }
0x53: {  	[tilespmem:s20], [sflag:$0x2] =	stream.indirect_vreg.gather [hbm4b:s4+s3], $0x80, v3, vm0, $0xb8;
	[tilespmem:$0x10200] =	vst v63  }
0x54: {  	s20 =	simm.s32 $0xB200  }
0x55: {  	[tilespmem:s20], [sflag:$0x2] =	stream.indirect_vreg.gather [hbm4b:s5+s3], $0x80, v3, vm0, $0xb8;
	[tilespmem:$0x10200] =	vst v63  }
0x56: {  	s20 =	simm.s32 $0xBA00  }
0x57: {  	[tilespmem:s20], [sflag:$0x2] =	stream.indirect_vreg.gather [hbm4b:s6+s3], $0x80, v3, vm0, $0xb8;
	[tilespmem:$0x10200] =	vst v63  }
0x58: {  	v3 =	vld [tilespmem:$0x90];
	_ =	sdelay $0x4  }
0x59: {  	v59 =	vshll.u32 v3, $0x3  }
0x5a: {  	v3 =	vand.u32 $0x7, v3;
	v4 =	vand.u32 $0xFFFFFFC0, v59  }
0x5b: {  	v3 =	vor.u32 v3, v4  }
0x5c: {  	v4 =	vperm.xlane v3, v0;
	_ =	sdelay $0x1  }
0x5d: {  	v4 =	vadd.s32 v1, v4;
	_ =	sdelay $0x3  }
0x5e: {  	s20 =	simm.s32 $0xC200  }
0x5f: {  	[tilespmem:s20], [sflag:$0x2] =	stream.indirect_vreg.gather [hbm4b:s2+s3], $0x80, v4, vm0, $0xb8;
	[tilespmem:$0x10200] =	vst v63  }
0x60: {  	v3 =	vperm.xlane v3, v2;
	s20 =	simm.s32 $0xCA00  }
0x61: {  	[tilespmem:s20], [sflag:$0x2] =	stream.indirect_vreg.gather [hbm4b:s4+s3], $0x80, v4, vm0, $0xb8;
	[tilespmem:$0x10200] =	vst v63  }
0x62: {  	v3 =	vadd.s32 v1, v3;
	s20 =	simm.s32 $0xD200  }
0x63: {  	[tilespmem:s20], [sflag:$0x2] =	stream.indirect_vreg.gather [hbm4b:s5+s3], $0x80, v4, vm0, $0xb8;
	[tilespmem:$0x10200] =	vst v63  }
0x64: {  	s20 =	simm.s32 $0xDA00  }
0x65: {  	[tilespmem:s20], [sflag:$0x2] =	stream.indirect_vreg.gather [hbm4b:s6+s3], $0x80, v4, vm0, $0xb8;
	[tilespmem:$0x10200] =	vst v63  }
0x66: {  	s20 =	simm.s32 $0xE200  }
0x67: {  	[tilespmem:s20], [sflag:$0x2] =	stream.indirect_vreg.gather [hbm4b:s2+s3], $0x80, v3, vm0, $0xb8;
	[tilespmem:$0x10200] =	vst v63  }
0x68: {  	s20 =	simm.s32 $0xEA00  }
0x69: {  	[tilespmem:s20], [sflag:$0x2] =	stream.indirect_vreg.gather [hbm4b:s4+s3], $0x80, v3, vm0, $0xb8;
	[tilespmem:$0x10200] =	vst v63  }
0x6a: {  	s20 =	simm.s32 $0xF200  }
0x6b: {  	[tilespmem:s20], [sflag:$0x2] =	stream.indirect_vreg.gather [hbm4b:s5+s3], $0x80, v3, vm0, $0xb8;
	[tilespmem:$0x10200] =	vst v63  }
0x6c: {  	s20 =	simm.s32 $0xFA00  }
0x6d: {  	[tilespmem:s20], [sflag:$0x2] =	stream.indirect_vreg.gather [hbm4b:s6+s3], $0x80, v3, vm0, $0xb8;
	[tilespmem:$0x10200] =	vst v63  }
0x6e: {  	_ =	swait.ge [sflag:s9], $0x8000  }
0x6f: {  	[sflag:s9] =	ssyncset.done $0x0  }
0x70: {  	s20 =	rddreg [dreg:$0x4];
	[sflag:s9] =	ssyncadd.s32 $0xFFFF8000  }
0x71: {  	[hbm4b:s20+s3] =	stream.linear.scatter [tilespmem:s25], [sflag:$0x3], $0x8000, $0x38;
	[tilespmem:$0x10200] =	vst v63  }
0x72: {  	_ =	swait.ge [sflag:s8], $0x8000  }
0x73: {  	[sflag:s8] =	ssyncset.done $0x0  }
0x74: {  	[sflag:s8] =	ssyncadd.s32 $0xFFFF8000  }
0x75: {  	v3 =	vld [tilespmem:$0x100];
	_ =	sdelay $0x4  }
0x76: {  	v60 =	vshll.u32 v3, $0x3  }
0x77: {  	v3 =	vand.u32 $0x7, v3;
	v4 =	vand.u32 $0xFFFFFFC0, v60  }
0x78: {  	v3 =	vor.u32 v3, v4  }
0x79: {  	v4 =	vperm.xlane v3, v0;
	_ =	sdelay $0x1  }
0x7a: {  	v4 =	vadd.s32 v1, v4;
	_ =	sdelay $0x4  }
0x7b: {  	[tilespmem:s25], [sflag:$0x1] =	stream.indirect_vreg.gather [hbm4b:s2+s3], $0x80, v4, vm0, $0xb8;
	[tilespmem:$0x10200] =	vst v63  }
0x7c: {  	v3 =	vperm.xlane v3, v2  }
0x7d: {  	[tilespmem:s21], [sflag:$0x1] =	stream.indirect_vreg.gather [hbm4b:s4+s3], $0x80, v4, vm0, $0xb8;
	[tilespmem:$0x10200] =	vst v63  }
0x7e: {  	v3 =	vadd.s32 v1, v3  }
0x7f: {  	[tilespmem:s22], [sflag:$0x1] =	stream.indirect_vreg.gather [hbm4b:s5+s3], $0x80, v4, vm0, $0xb8;
	[tilespmem:$0x10200] =	vst v63  }
0x80: {  	_ = 	snop  }
0x81: {  	[tilespmem:s23], [sflag:$0x1] =	stream.indirect_vreg.gather [hbm4b:s6+s3], $0x80, v4, vm0, $0xb8;
	[tilespmem:$0x10200] =	vst v63  }
0x82: {  	_ = 	snop  }
0x83: {  	[tilespmem:s24], [sflag:$0x1] =	stream.indirect_vreg.gather [hbm4b:s2+s3], $0x80, v3, vm0, $0xb8;
	[tilespmem:$0x10200] =	vst v63  }
0x84: {  	_ = 	snop  }
0x85: {  	[tilespmem:s26], [sflag:$0x1] =	stream.indirect_vreg.gather [hbm4b:s4+s3], $0x80, v3, vm0, $0xb8;
	[tilespmem:$0x10200] =	vst v63  }
0x86: {  	_ = 	snop  }
0x87: {  	[tilespmem:s28], [sflag:$0x1] =	stream.indirect_vreg.gather [hbm4b:s5+s3], $0x80, v3, vm0, $0xb8;
	[tilespmem:$0x10200] =	vst v63  }
0x88: {  	_ = 	snop  }
0x89: {  	[tilespmem:s29], [sflag:$0x1] =	stream.indirect_vreg.gather [hbm4b:s6+s3], $0x80, v3, vm0, $0xb8;
	[tilespmem:$0x10200] =	vst v63  }
0x8a: {  	v3 =	vld [tilespmem:$0x110];
	_ =	sdelay $0x4  }
0x8b: {  	v61 =	vshll.u32 v3, $0x3  }
0x8c: {  	v3 =	vand.u32 $0x7, v3;
	v4 =	vand.u32 $0xFFFFFFC0, v61  }
0x8d: {  	v3 =	vor.u32 v3, v4  }
0x8e: {  	v4 =	vperm.xlane v3, v0;
	_ =	sdelay $0x1  }
0x8f: {  	v4 =	vadd.s32 v1, v4;
	_ =	sdelay $0x4  }
0x90: {  	[tilespmem:s30], [sflag:$0x1] =	stream.indirect_vreg.gather [hbm4b:s2+s3], $0x80, v4, vm0, $0xb8;
	[tilespmem:$0x10200] =	vst v63  }
0x91: {  	v3 =	vperm.xlane v3, v2  }
0x92: {  	[tilespmem:s31], [sflag:$0x1] =	stream.indirect_vreg.gather [hbm4b:s4+s3], $0x80, v4, vm0, $0xb8;
	[tilespmem:$0x10200] =	vst v63  }
0x93: {  	v3 =	vadd.s32 v1, v3  }
0x94: {  	[tilespmem:s1], [sflag:$0x1] =	stream.indirect_vreg.gather [hbm4b:s5+s3], $0x80, v4, vm0, $0xb8;
	[tilespmem:$0x10200] =	vst v63  }
0x95: {  	_ = 	snop  }
0x96: {  	[tilespmem:s0], [sflag:$0x1] =	stream.indirect_vreg.gather [hbm4b:s6+s3], $0x80, v4, vm0, $0xb8;
	[tilespmem:$0x10200] =	vst v63  }
0x97: {  	_ = 	snop  }
0x98: {  	[tilespmem:s10], [sflag:$0x1] =	stream.indirect_vreg.gather [hbm4b:s2+s3], $0x80, v3, vm0, $0xb8;
	[tilespmem:$0x10200] =	vst v63  }
0x99: {  	_ = 	snop  }
0x9a: {  	[tilespmem:s11], [sflag:$0x1] =	stream.indirect_vreg.gather [hbm4b:s4+s3], $0x80, v3, vm0, $0xb8;
	[tilespmem:$0x10200] =	vst v63  }
0x9b: {  	_ = 	snop  }
0x9c: {  	[tilespmem:s12], [sflag:$0x1] =	stream.indirect_vreg.gather [hbm4b:s5+s3], $0x80, v3, vm0, $0xb8;
	[tilespmem:$0x10200] =	vst v63  }
0x9d: {  	_ = 	snop  }
0x9e: {  	[tilespmem:s13], [sflag:$0x1] =	stream.indirect_vreg.gather [hbm4b:s6+s3], $0x80, v3, vm0, $0xb8;
	[tilespmem:$0x10200] =	vst v63  }
0x9f: {  	_ =	swait.ge [sflag:s19], $0x8000  }
0xa0: {  	[sflag:s19] =	ssyncset.done $0x0  }
0xa1: {  	s0 =	rddreg [dreg:$0x5];
	[sflag:s19] =	ssyncadd.s32 $0xFFFF8000  }
0xa2: {  	[hbm4b:s0+s3] =	stream.linear.scatter [tilespmem:s18], [sflag:$0x3], $0x8000, $0x38;
	[tilespmem:$0x10200] =	vst v63  }
0xa3: {  	_ =	swait.ge [sflag:s8], $0x8000  }
0xa4: {  	[sflag:s8] =	ssyncset.done $0x0  }
0xa5: {  	[sflag:s8] =	ssyncadd.s32 $0xFFFF8000  }
0xa6: {  	v3 =	vld [tilespmem:$0x180];
	_ =	sdelay $0x4  }
0xa7: {  	v62 =	vshll.u32 v3, $0x3  }
0xa8: {  	v3 =	vand.u32 $0x7, v3;
	v4 =	vand.u32 $0xFFFFFFC0, v62  }
0xa9: {  	v3 =	vor.u32 v3, v4  }
0xaa: {  	v4 =	vperm.xlane v3, v0;
	_ =	sdelay $0x1  }
0xab: {  	v4 =	vadd.s32 v1, v4;
	_ =	sdelay $0x4  }
0xac: {  	[tilespmem:s18], [sflag:$0x2] =	stream.indirect_vreg.gather [hbm4b:s2+s3], $0x80, v4, vm0, $0xb8;
	[tilespmem:$0x10200] =	vst v63  }
0xad: {  	v3 =	vperm.xlane v3, v2  }
0xae: {  	[tilespmem:s14], [sflag:$0x2] =	stream.indirect_vreg.gather [hbm4b:s4+s3], $0x80, v4, vm0, $0xb8;
	[tilespmem:$0x10200] =	vst v63  }
0xaf: {  	v3 =	vadd.s32 v1, v3  }
0xb0: {  	[tilespmem:s15], [sflag:$0x2] =	stream.indirect_vreg.gather [hbm4b:s5+s3], $0x80, v4, vm0, $0xb8;
	[tilespmem:$0x10200] =	vst v63  }
0xb1: {  	_ = 	snop  }
0xb2: {  	[tilespmem:s16], [sflag:$0x2] =	stream.indirect_vreg.gather [hbm4b:s6+s3], $0x80, v4, vm0, $0xb8;
	[tilespmem:$0x10200] =	vst v63  }
0xb3: {  	_ = 	snop  }
0xb4: {  	[tilespmem:s17], [sflag:$0x2] =	stream.indirect_vreg.gather [hbm4b:s2+s3], $0x80, v3, vm0, $0xb8;
	[tilespmem:$0x10200] =	vst v63  }
0xb5: {  	s20 =	simm.s32 $0xAA00  }
0xb6: {  	[tilespmem:s20], [sflag:$0x2] =	stream.indirect_vreg.gather [hbm4b:s4+s3], $0x80, v3, vm0, $0xb8;
	[tilespmem:$0x10200] =	vst v63  }
0xb7: {  	s20 =	simm.s32 $0xB200  }
0xb8: {  	[tilespmem:s20], [sflag:$0x2] =	stream.indirect_vreg.gather [hbm4b:s5+s3], $0x80, v3, vm0, $0xb8;
	[tilespmem:$0x10200] =	vst v63  }
0xb9: {  	s20 =	simm.s32 $0xBA00  }
0xba: {  	[tilespmem:s20], [sflag:$0x2] =	stream.indirect_vreg.gather [hbm4b:s6+s3], $0x80, v3, vm0, $0xb8;
	[tilespmem:$0x10200] =	vst v63  }
0xbb: {  	v3 =	vld [tilespmem:$0x190];
	_ =	sdelay $0x4  }
0xbc: {  	v63 =	vshll.u32 v3, $0x3  }
0xbd: {  	v3 =	vand.u32 $0x7, v3;
	v4 =	vand.u32 $0xFFFFFFC0, v63  }
0xbe: {  	v3 =	vor.u32 v3, v4  }
0xbf: {  	v4 =	vperm.xlane v3, v0;
	_ =	sdelay $0x1  }
0xc0: {  	v4 =	vadd.s32 v1, v4;
	_ =	sdelay $0x3  }
0xc1: {  	s20 =	simm.s32 $0xC200  }
0xc2: {  	[tilespmem:s20], [sflag:$0x2] =	stream.indirect_vreg.gather [hbm4b:s2+s3], $0x80, v4, vm0, $0xb8;
	[tilespmem:$0x10200] =	vst v63  }
0xc3: {  	v3 =	vperm.xlane v3, v2;
	s20 =	simm.s32 $0xCA00  }
0xc4: {  	[tilespmem:s20], [sflag:$0x2] =	stream.indirect_vreg.gather [hbm4b:s4+s3], $0x80, v4, vm0, $0xb8;
	[tilespmem:$0x10200] =	vst v63  }
0xc5: {  	v3 =	vadd.s32 v1, v3;
	s20 =	simm.s32 $0xD200  }
0xc6: {  	[tilespmem:s20], [sflag:$0x2] =	stream.indirect_vreg.gather [hbm4b:s5+s3], $0x80, v4, vm0, $0xb8;
	[tilespmem:$0x10200] =	vst v63  }
0xc7: {  	s20 =	simm.s32 $0xDA00  }
0xc8: {  	[tilespmem:s20], [sflag:$0x2] =	stream.indirect_vreg.gather [hbm4b:s6+s3], $0x80, v4, vm0, $0xb8;
	[tilespmem:$0x10200] =	vst v63  }
0xc9: {  	s20 =	simm.s32 $0xE200  }
0xca: {  	[tilespmem:s20], [sflag:$0x2] =	stream.indirect_vreg.gather [hbm4b:s2+s3], $0x80, v3, vm0, $0xb8;
	[tilespmem:$0x10200] =	vst v63  }
0xcb: {  	s20 =	simm.s32 $0xEA00  }
0xcc: {  	[tilespmem:s20], [sflag:$0x2] =	stream.indirect_vreg.gather [hbm4b:s4+s3], $0x80, v3, vm0, $0xb8;
	[tilespmem:$0x10200] =	vst v63  }
0xcd: {  	s20 =	simm.s32 $0xF200  }
0xce: {  	[tilespmem:s20], [sflag:$0x2] =	stream.indirect_vreg.gather [hbm4b:s5+s3], $0x80, v3, vm0, $0xb8;
	[tilespmem:$0x10200] =	vst v63  }
0xcf: {  	s20 =	simm.s32 $0xFA00  }
0xd0: {  	[tilespmem:s20], [sflag:$0x2] =	stream.indirect_vreg.gather [hbm4b:s6+s3], $0x80, v3, vm0, $0xb8;
	[tilespmem:$0x10200] =	vst v63  }
0xd1: {  	_ =	swait.ge [sflag:s9], $0x8000  }
0xd2: {  	[sflag:s9] =	ssyncset.done $0x0  }
0xd3: {  	s0 =	rddreg [dreg:$0x6];
	[sflag:s9] =	ssyncadd.s32 $0xFFFF8000  }
0xd4: {  	[hbm4b:s0+s3] =	stream.linear.scatter [tilespmem:s25], [sflag:$0x3], $0x8000, $0x38;
	[tilespmem:$0x10200] =	vst v63  }
0xd5: {  	_ =	swait.ge [sflag:s8], $0x8000  }
0xd6: {  	[sflag:s8] =	ssyncset.done $0x0  }
0xd7: {  	[sflag:s8] =	ssyncadd.s32 $0xFFFF8000  }
0xd8: {  	_ =	swait.ge [sflag:s19], $0x8000  }
0xd9: {  	p0 =	sne.s32 s7, $0x1;
	[sflag:s19] =	ssyncset.done $0x0  }
.Ltmp0:
0xda: {  	s0 =	rddreg [dreg:$0x7];
	[sflag:s19] =	ssyncadd.s32 $0xFFFF8000;
	(pc) =	sbr.rel @p0 .LBB2_1-.Ltmp0, $4  }
0xdb: {  	[hbm4b:s0+s3] =	stream.linear.scatter [tilespmem:s18], [sflag:$0x3], $0x8000, $0x38;
	[tilespmem:$0x10200] =	vst v63  }
0xdc: {  	_ =	swait.ge [sflag:s8], $0x8000  }
0xdd: {  	[sflag:s8] =	ssyncset.done $0x0  }
0xde: {  	s7 =	sadd.s32 $0xFFFFFFFF, s7;
	[sflag:s8] =	ssyncadd.s32 $0xFFFF8000  }
0xdf: {  	_ =	sfence.sel $0x180000  }
0xe0: {  	[bflag:$0x0] =	sbarrier.arrive $0xFFFF  }
0xe1: {  	_ =	strace $0x9000004A  }
0xe2: {  	s0 =	stileid.u32;
	[bflag:$0x2] =	sbarrier.arrive $0xFFFF  }
0xe3: {  	p0 =	sne.s32 s0, $0x0;
	s0 =	rddreg [dreg:$0x2]  }
0xe4: {  	s0 =	sadd.s32 @!p0 $0x100000, s0  }
0xe5: {  	[sflag:s0] =	ssyncadd.tile.s32 @!p0 $0x1;
	_ =	shalt  }
.Lfunc_end2:
_tile_overlayer_lowered:
.L_overlay_start_2:
0xe6: {  	(tag) =	ssettag $0x2  }
0xe7: {  	s0 =	rddreg [dreg:$0x0];
	s2 =	stileid.u32  }
0xe8: {  	s1 =	rddreg [dreg:$0x1];
	p0 =	sne.s32 s2, $0x0  }
0xe9: {  	s3 =	rddreg [dreg:$0x2];
	[bflag:$0x3] =	sbarrier.arrive $0xFFFF;
	s2 =	simm.s32 @!p0 $0x1C03  }
0xea: {  	[timem:s3], [sflag:s2] =	dma.local @!p0 [hbm:s0], s1  }
0xeb: {  	s0 =	simm.s32 @!p0 $0x3  }
0xec: {  	_ =	swait.ge @!p0 [sflag:s0], s1  }
0xed: {  	s1 =	ssub.s32 @!p0 $0x0, s1;
	[sflag:s0] =	ssyncset.done @!p0 $0x0  }
0xee: {  	[sflag:s0] =	ssyncadd.s32 @!p0 s1  }
0xef: {  	[bflag:$0x3] =	sbarrier.arrive $0xFFFF  }
0xf0: {  	_ =	shalt  }

</sc_bundles>
